<compile_context>
chip_gen: v7x
topology: tpu7x:2x2x1
jax: 0.10.2.dev20260603
libtpu: 0.0.44.dev20260713+nightly
codegen_flags: <defaults>
</compile_context>

<pallas_src>
import functools

import jax
import jax.numpy as jnp
from jax import lax
from jax.experimental import pallas as pl
from jax.experimental.pallas import tpu as pltpu
from jax.experimental.pallas import tpu_sc as plsc

_K = 32


@functools.lru_cache(maxsize=None)
def _build_sc_kernel(b: int, h: int, w: int, c: int):
    info = plsc.get_sparse_core_info()
    nc, ns, nl = info.num_cores, info.num_subcores, info.num_lanes
    nw = nc * ns
    assert c % nl == 0 and nw % b == 0 and h % (nw // b) == 0
    spb = nw // b
    hb = h // spb
    groups = c // nl

    mesh = plsc.VectorSubcoreMesh(core_axis_name="c", subcore_axis_name="s")

    @functools.partial(
        pl.kernel,
        out_type=jax.ShapeDtypeStruct((b, h, w, c), jnp.float32),
        mesh=mesh,
        scratch_types=[
            pltpu.VMEM((_K, c), jnp.float32),
            pltpu.VMEM((1, w, c), jnp.float32),
            pltpu.SemaphoreType.DMA,
        ],
    )
    def sc_kernel(in_hbm, out_hbm, head_v, slab_v, sem):
        wid = lax.axis_index("s") * nc + lax.axis_index("c")
        bi = wid // spb
        h0 = (wid % spb) * hb
        pltpu.sync_copy(in_hbm.at[bi], head_v)
        mvecs = []
        for g in range(groups):
            v = head_v[0, pl.ds(g * nl, nl)]
            for k in range(1, _K):
                v = v + head_v[k, pl.ds(g * nl, nl)]
            mvecs.append(v * (1.0 / _K))

        def fill(i, carry):
            for g in range(groups):
                slab_v[0, i, pl.ds(g * nl, nl)] = mvecs[g]
            return carry

        lax.fori_loop(0, w, fill, 0)
        copies = [
            pltpu.async_copy(slab_v, out_hbm.at[bi, pl.ds(h0 + q, 1)], sem)
            for q in range(hb)
        ]
        for cp in copies:
            cp.wait()

    return sc_kernel


def kernel(feat_pos):
    b, c, h, w = feat_pos.shape
    head = jnp.transpose(
        lax.slice(feat_pos, (0, 0, 0, 0), (b, c, 1, _K)).reshape(b, c, _K),
        (0, 2, 1),
    )
    out_t = _build_sc_kernel(b, h, w, c)(head)
    return jnp.transpose(out_t, (0, 3, 1, 2))

# --- scband reference (transcript-rebuilt; emitter-appended) ---
"""Pipeline reference for scband-gnnv2-18021682774979 (READ-ONLY COPY).

The authoritative reference and input builder live on the scoring server;
editing this copy changes nothing except your own understanding.
"""

import jax, jax.numpy as jnp
import numpy as np

K = 32

def setup_inputs(seed: int = 0) -> dict:
    key = jax.random.key(seed)
    feat_pos = jax.random.normal(key, (4, 128, 64, 64), dtype=jnp.float32)
    return {"feat_pos": feat_pos}

def reference(feat_pos):
    b, c, h, w = feat_pos.shape
    fp = feat_pos.reshape(b, c, h * w)
    fp = jnp.transpose(fp, (0, 2, 1))  # (b, N, c)
    # NOTE: faithful to the original torch code: c here is the FULL channel count,
    # so feat takes all channels and pos is an empty (b, N, 0) slice.
    feat = fp[:, :, :c]
    pos = fp[:, :, c:]
    # F.normalize(p=2, dim=-1) with eps clamp (no-op on empty last dim)
    norm = jnp.linalg.norm(pos, axis=-1, keepdims=True)
    pos = pos / jnp.clip(norm, 1e-12, None)
    # (b, N, 0) @ (b, 0, N) -> all-zeros (b, N, N), matching torch semantics
    sim = jnp.matmul(pos, jnp.swapaxes(pos, -1, -2))
    topksim, topkid = jax.lax.top_k(sim, K)  # (b, N, K)
    topkid_flat = topkid.reshape(b, -1)  # (b, N*K)
    topkfeat = feat[jnp.arange(b)[:, None], topkid_flat]  # (b, N*K, c)
    topkfeat = topkfeat.reshape(b, h * w, K, c)
    attn = jax.nn.softmax(topksim, axis=-1)  # (b, N, K)
    output = (attn[..., None] * topkfeat).sum(axis=-2)  # (b, N, c)
    output = output.reshape(b, h, w, c)
    output = jnp.transpose(output, (0, 3, 1, 2))
    return output

if __name__ == "__main__":
    import jax
    _d = setup_inputs()
    print(jax.jit(kernel)(*tuple(_d.values())))

</pallas_src>

<mosaic_0001>
#map = affine_map<(d0, d1) -> (0, 0, 0)>
#map1 = affine_map<(d0, d1) -> (0, 0, 0, 0)>
module attributes {stable_mosaic.version = 14 : i64} {
  func.func @sc_kernel(%arg0: i32, %arg1: i32, %arg2: memref<4x32x128xf32, #tpu.memory_space<hbm>>, %arg3: memref<4x64x64x128xf32, #tpu.memory_space<hbm>>, %arg4: memref<32x128xf32, #tpu.memory_space<vmem>>, %arg5: memref<1x64x128xf32, #tpu.memory_space<vmem>>, %arg6: memref<!tpu.dma_semaphore, #tpu.memory_space<semaphore_mem>>) attributes {dimension_semantics = [#tpu.dimension_semantics<core_parallel>, #tpu.dimension_semantics<subcore_parallel>], iteration_bounds = array<i64: 2, 16>, scalar_prefetch = 0 : i64, scratch_operands = 3 : i64, tpu.core_type = #tpu.core_type<sc_vector_subcore>, window_params = [{transform_indices = #map}, {transform_indices = #map1}]} {
    %mul3A = arith.constant 2 : i32
    %mul3A_0 = arith.muli %arg1, %mul3A : i32
    %add3A = arith.addi %mul3A_0, %arg0 : i32
    %jit3A = arith.constant 8 : i32
    %div3A = arith.divsi %add3A, %jit3A : i32
    %sign3A = arith.constant 0 : i32
    %sign3A_1 = arith.cmpi sgt, %add3A, %sign3A : i32
    %sign3A_2 = arith.extui %sign3A_1 : i1 to i32
    %sign3A_3 = arith.constant 0 : i32
    %sign3A_4 = arith.cmpi slt, %add3A, %sign3A_3 : i32
    %sign3A_5 = arith.extui %sign3A_4 : i1 to i32
    %sign3A_6 = arith.subi %sign3A_2, %sign3A_5 : i32
    %sign3A_7 = arith.constant 0 : i32
    %sign3A_8 = arith.cmpi sgt, %jit3A, %sign3A_7 : i32
    %sign3A_9 = arith.extui %sign3A_8 : i1 to i32
    %sign3A_10 = arith.constant 0 : i32
    %sign3A_11 = arith.cmpi slt, %jit3A, %sign3A_10 : i32
    %sign3A_12 = arith.extui %sign3A_11 : i1 to i32
    %sign3A_13 = arith.subi %sign3A_9, %sign3A_12 : i32
    %ne3A = arith.cmpi ne, %sign3A_6, %sign3A_13 : i32
    %rem3A = arith.remsi %add3A, %jit3A : i32
    %ne3A_14 = arith.constant 0 : i32
    %ne3A_15 = arith.cmpi ne, %rem3A, %ne3A_14 : i32
    %and3A = arith.andi %ne3A, %ne3A_15 : i1
    %sub3A = arith.constant 1 : i32
    %sub3A_16 = arith.subi %div3A, %sub3A : i32
    %select_n3A = arith.select %and3A, %sub3A_16, %div3A : i32
    %jit3A_17 = arith.constant 8 : i32
    %eq3A = arith.constant 0 : i32
    %eq3A_18 = arith.cmpi eq, %jit3A_17, %eq3A : i32
    %jit3A_19 = arith.constant 1 : i32
    %select_n3A_20 = arith.select %eq3A_18, %jit3A_19, %jit3A_17 : i32
    %rem3A_21 = arith.remsi %add3A, %select_n3A_20 : i32
    %ne3A_22 = arith.constant 0 : i32
    %ne3A_23 = arith.cmpi ne, %rem3A_21, %ne3A_22 : i32
    %lt3A = arith.constant 0 : i32
    %lt3A_24 = arith.cmpi slt, %rem3A_21, %lt3A : i32
    %lt3A_25 = arith.constant 0 : i32
    %lt3A_26 = arith.cmpi slt, %select_n3A_20, %lt3A_25 : i32
    %ne3A_27 = arith.xori %lt3A_24, %lt3A_26 : i1
    %and3A_28 = arith.andi %ne3A_27, %ne3A_23 : i1
    %add3A_29 = arith.addi %rem3A_21, %select_n3A_20 : i32
    %select_n3A_30 = arith.select %and3A_28, %add3A_29, %rem3A_21 : i32
    %mul3A_31 = arith.constant 8 : i32
    %mul3A_32 = arith.muli %select_n3A_30, %mul3A_31 : i32
    "tpu.region"() ({
      %run_scoped3A = tpu.sem_alloc : memref<!tpu.dma_semaphore, #tpu.memory_space<semaphore_mem>>
      %dma_start3A_1731 = arith.constant 0 : i32
      %dma_start3A_1732 = arith.constant 0 : i32
      %dma_start3A_1733 = tpu.memref_slice %arg2[%select_n3A, %dma_start3A_1731, %dma_start3A_1732] : memref<4x32x128xf32, #tpu.memory_space<hbm>> -> memref<1x32x128xf32, #tpu.memory_space<hbm>>
      %dma_start3A_1734 = tpu.memref_squeeze %dma_start3A_1733 : memref<1x32x128xf32, #tpu.memory_space<hbm>> -> memref<32x128xf32, #tpu.memory_space<hbm>>
      %dma_start3A_1735 = arith.constant 0 : i32
      %dma_start3A_1736 = arith.constant 0 : i32
      %dma_start3A_1737 = tpu.memref_slice %arg2[%select_n3A, %dma_start3A_1735, %dma_start3A_1736] : memref<4x32x128xf32, #tpu.memory_space<hbm>> -> memref<1x32x128xf32, #tpu.memory_space<hbm>>
      %dma_start3A_1738 = tpu.memref_squeeze %dma_start3A_1737 : memref<1x32x128xf32, #tpu.memory_space<hbm>> -> memref<32x128xf32, #tpu.memory_space<hbm>>
      tpu.enqueue_dma source(%dma_start3A_1738 : memref<32x128xf32, #tpu.memory_space<hbm>>) target(%arg4 : memref<32x128xf32, #tpu.memory_space<vmem>>) target_semaphore(%run_scoped3A : memref<!tpu.dma_semaphore, #tpu.memory_space<semaphore_mem>>)
      %dma_wait3A_1739 = arith.constant 0 : i32
      %dma_wait3A_1740 = arith.constant 0 : i32
      %dma_wait3A_1741 = tpu.memref_slice %arg2[%select_n3A, %dma_wait3A_1739, %dma_wait3A_1740] : memref<4x32x128xf32, #tpu.memory_space<hbm>> -> memref<1x32x128xf32, #tpu.memory_space<hbm>>
      %dma_wait3A_1742 = tpu.memref_squeeze %dma_wait3A_1741 : memref<1x32x128xf32, #tpu.memory_space<hbm>> -> memref<32x128xf32, #tpu.memory_space<hbm>>
      %dma_wait3A_1743 = arith.constant 0 : i32
      %dma_wait3A_1744 = arith.constant 0 : i32
      %dma_wait3A_1745 = tpu.memref_slice %arg2[%select_n3A, %dma_wait3A_1743, %dma_wait3A_1744] : memref<4x32x128xf32, #tpu.memory_space<hbm>> -> memref<1x32x128xf32, #tpu.memory_space<hbm>>
      %dma_wait3A_1746 = tpu.memref_squeeze %dma_wait3A_1745 : memref<1x32x128xf32, #tpu.memory_space<hbm>> -> memref<32x128xf32, #tpu.memory_space<hbm>>
      tpu.wait_dma2 semaphore(%run_scoped3A : memref<!tpu.dma_semaphore, #tpu.memory_space<semaphore_mem>>) src(%dma_wait3A_1746 : memref<32x128xf32, #tpu.memory_space<hbm>>) dst(%arg4 : memref<32x128xf32, #tpu.memory_space<vmem>>)
      tpu.yield
    }) : () -> ()
    %get3A = arith.constant 0 : i32
    %get3A_33 = arith.index_cast %get3A : i32 to index
    %get3A_34 = arith.constant 0 : index
    %get3A_35 = tpu.vector_load %arg4[%get3A_33, %get3A_34] {strides = array<i32>} : memref<32x128xf32, #tpu.memory_space<vmem>>, vector<1x16xf32>,
    %get3A_36 = vector.shape_cast %get3A_35 : vector<1x16xf32> to vector<16xf32>
    %get3A_37 = arith.constant 1 : i32
    %get3A_38 = arith.index_cast %get3A_37 : i32 to index
    %get3A_39 = arith.constant 0 : index
    %get3A_40 = tpu.vector_load %arg4[%get3A_38, %get3A_39] {strides = array<i32>} : memref<32x128xf32, #tpu.memory_space<vmem>>, vector<1x16xf32>,
    %get3A_41 = vector.shape_cast %get3A_40 : vector<1x16xf32> to vector<16xf32>
    %add3A_42 = arith.addf %get3A_36, %get3A_41 : vector<16xf32>
    %get3A_43 = arith.constant 2 : i32
    %get3A_44 = arith.index_cast %get3A_43 : i32 to index
    %get3A_45 = arith.constant 0 : index
    %get3A_46 = tpu.vector_load %arg4[%get3A_44, %get3A_45] {strides = array<i32>} : memref<32x128xf32, #tpu.memory_space<vmem>>, vector<1x16xf32>,
    %get3A_47 = vector.shape_cast %get3A_46 : vector<1x16xf32> to vector<16xf32>
    %add3A_48 = arith.addf %add3A_42, %get3A_47 : vector<16xf32>
    %get3A_49 = arith.constant 3 : i32
    %get3A_50 = arith.index_cast %get3A_49 : i32 to index
    %get3A_51 = arith.constant 0 : index
    %get3A_52 = tpu.vector_load %arg4[%get3A_50, %get3A_51] {strides = array<i32>} : memref<32x128xf32, #tpu.memory_space<vmem>>, vector<1x16xf32>,
    %get3A_53 = vector.shape_cast %get3A_52 : vector<1x16xf32> to vector<16xf32>
    %add3A_54 = arith.addf %add3A_48, %get3A_53 : vector<16xf32>
    %get3A_55 = arith.constant 4 : i32
    %get3A_56 = arith.index_cast %get3A_55 : i32 to index
    %get3A_57 = arith.constant 0 : index
    %get3A_58 = tpu.vector_load %arg4[%get3A_56, %get3A_57] {strides = array<i32>} : memref<32x128xf32, #tpu.memory_space<vmem>>, vector<1x16xf32>,
    %get3A_59 = vector.shape_cast %get3A_58 : vector<1x16xf32> to vector<16xf32>
    %add3A_60 = arith.addf %add3A_54, %get3A_59 : vector<16xf32>
    %get3A_61 = arith.constant 5 : i32
    %get3A_62 = arith.index_cast %get3A_61 : i32 to index
    %get3A_63 = arith.constant 0 : index
    %get3A_64 = tpu.vector_load %arg4[%get3A_62, %get3A_63] {strides = array<i32>} : memref<32x128xf32, #tpu.memory_space<vmem>>, vector<1x16xf32>,
    %get3A_65 = vector.shape_cast %get3A_64 : vector<1x16xf32> to vector<16xf32>
    %add3A_66 = arith.addf %add3A_60, %get3A_65 : vector<16xf32>
    %get3A_67 = arith.constant 6 : i32
    %get3A_68 = arith.index_cast %get3A_67 : i32 to index
    %get3A_69 = arith.constant 0 : index
    %get3A_70 = tpu.vector_load %arg4[%get3A_68, %get3A_69] {strides = array<i32>} : memref<32x128xf32, #tpu.memory_space<vmem>>, vector<1x16xf32>,
    %get3A_71 = vector.shape_cast %get3A_70 : vector<1x16xf32> to vector<16xf32>
    %add3A_72 = arith.addf %add3A_66, %get3A_71 : vector<16xf32>
    %get3A_73 = arith.constant 7 : i32
    %get3A_74 = arith.index_cast %get3A_73 : i32 to index
    %get3A_75 = arith.constant 0 : index
    %get3A_76 = tpu.vector_load %arg4[%get3A_74, %get3A_75] {strides = array<i32>} : memref<32x128xf32, #tpu.memory_space<vmem>>, vector<1x16xf32>,
    %get3A_77 = vector.shape_cast %get3A_76 : vector<1x16xf32> to vector<16xf32>
    %add3A_78 = arith.addf %add3A_72, %get3A_77 : vector<16xf32>
    %get3A_79 = arith.constant 8 : i32
    %get3A_80 = arith.index_cast %get3A_79 : i32 to index
    %get3A_81 = arith.constant 0 : index
    %get3A_82 = tpu.vector_load %arg4[%get3A_80, %get3A_81] {strides = array<i32>} : memref<32x128xf32, #tpu.memory_space<vmem>>, vector<1x16xf32>,
    %get3A_83 = vector.shape_cast %get3A_82 : vector<1x16xf32> to vector<16xf32>
    %add3A_84 = arith.addf %add3A_78, %get3A_83 : vector<16xf32>
    %get3A_85 = arith.constant 9 : i32
    %get3A_86 = arith.index_cast %get3A_85 : i32 to index
    %get3A_87 = arith.constant 0 : index
    %get3A_88 = tpu.vector_load %arg4[%get3A_86, %get3A_87] {strides = array<i32>} : memref<32x128xf32, #tpu.memory_space<vmem>>, vector<1x16xf32>,
    %get3A_89 = vector.shape_cast %get3A_88 : vector<1x16xf32> to vector<16xf32>
    %add3A_90 = arith.addf %add3A_84, %get3A_89 : vector<16xf32>
    %get3A_91 = arith.constant 10 : i32
    %get3A_92 = arith.index_cast %get3A_91 : i32 to index
    %get3A_93 = arith.constant 0 : index
    %get3A_94 = tpu.vector_load %arg4[%get3A_92, %get3A_93] {strides = array<i32>} : memref<32x128xf32, #tpu.memory_space<vmem>>, vector<1x16xf32>,
    %get3A_95 = vector.shape_cast %get3A_94 : vector<1x16xf32> to vector<16xf32>
    %add3A_96 = arith.addf %add3A_90, %get3A_95 : vector<16xf32>
    %get3A_97 = arith.constant 11 : i32
    %get3A_98 = arith.index_cast %get3A_97 : i32 to index
    %get3A_99 = arith.constant 0 : index
    %get3A_100 = tpu.vector_load %arg4[%get3A_98, %get3A_99] {strides = array<i32>} : memref<32x128xf32, #tpu.memory_space<vmem>>, vector<1x16xf32>,
    %get3A_101 = vector.shape_cast %get3A_100 : vector<1x16xf32> to vector<16xf32>
    %add3A_102 = arith.addf %add3A_96, %get3A_101 : vector<16xf32>
    %get3A_103 = arith.constant 12 : i32
    %get3A_104 = arith.index_cast %get3A_103 : i32 to index
    %get3A_105 = arith.constant 0 : index
    %get3A_106 = tpu.vector_load %arg4[%get3A_104, %get3A_105] {strides = array<i32>} : memref<32x128xf32, #tpu.memory_space<vmem>>, vector<1x16xf32>,
    %get3A_107 = vector.shape_cast %get3A_106 : vector<1x16xf32> to vector<16xf32>
    %add3A_108 = arith.addf %add3A_102, %get3A_107 : vector<16xf32>
    %get3A_109 = arith.constant 13 : i32
    %get3A_110 = arith.index_cast %get3A_109 : i32 to index
    %get3A_111 = arith.constant 0 : index
    %get3A_112 = tpu.vector_load %arg4[%get3A_110, %get3A_111] {strides = array<i32>} : memref<32x128xf32, #tpu.memory_space<vmem>>, vector<1x16xf32>,
    %get3A_113 = vector.shape_cast %get3A_112 : vector<1x16xf32> to vector<16xf32>
    %add3A_114 = arith.addf %add3A_108, %get3A_113 : vector<16xf32>
    %get3A_115 = arith.constant 14 : i32
    %get3A_116 = arith.index_cast %get3A_115 : i32 to index
    %get3A_117 = arith.constant 0 : index
    %get3A_118 = tpu.vector_load %arg4[%get3A_116, %get3A_117] {strides = array<i32>} : memref<32x128xf32, #tpu.memory_space<vmem>>, vector<1x16xf32>,
    %get3A_119 = vector.shape_cast %get3A_118 : vector<1x16xf32> to vector<16xf32>
    %add3A_120 = arith.addf %add3A_114, %get3A_119 : vector<16xf32>
    %get3A_121 = arith.constant 15 : i32
    %get3A_122 = arith.index_cast %get3A_121 : i32 to index
    %get3A_123 = arith.constant 0 : index
    %get3A_124 = tpu.vector_load %arg4[%get3A_122, %get3A_123] {strides = array<i32>} : memref<32x128xf32, #tpu.memory_space<vmem>>, vector<1x16xf32>,
    %get3A_125 = vector.shape_cast %get3A_124 : vector<1x16xf32> to vector<16xf32>
    %add3A_126 = arith.addf %add3A_120, %get3A_125 : vector<16xf32>
    %get3A_127 = arith.constant 16 : i32
    %get3A_128 = arith.index_cast %get3A_127 : i32 to index
    %get3A_129 = arith.constant 0 : index
    %get3A_130 = tpu.vector_load %arg4[%get3A_128, %get3A_129] {strides = array<i32>} : memref<32x128xf32, #tpu.memory_space<vmem>>, vector<1x16xf32>,
    %get3A_131 = vector.shape_cast %get3A_130 : vector<1x16xf32> to vector<16xf32>
    %add3A_132 = arith.addf %add3A_126, %get3A_131 : vector<16xf32>
    %get3A_133 = arith.constant 17 : i32
    %get3A_134 = arith.index_cast %get3A_133 : i32 to index
    %get3A_135 = arith.constant 0 : index
    %get3A_136 = tpu.vector_load %arg4[%get3A_134, %get3A_135] {strides = array<i32>} : memref<32x128xf32, #tpu.memory_space<vmem>>, vector<1x16xf32>,
    %get3A_137 = vector.shape_cast %get3A_136 : vector<1x16xf32> to vector<16xf32>
    %add3A_138 = arith.addf %add3A_132, %get3A_137 : vector<16xf32>
    %get3A_139 = arith.constant 18 : i32
    %get3A_140 = arith.index_cast %get3A_139 : i32 to index
    %get3A_141 = arith.constant 0 : index
    %get3A_142 = tpu.vector_load %arg4[%get3A_140, %get3A_141] {strides = array<i32>} : memref<32x128xf32, #tpu.memory_space<vmem>>, vector<1x16xf32>,
    %get3A_143 = vector.shape_cast %get3A_142 : vector<1x16xf32> to vector<16xf32>
    %add3A_144 = arith.addf %add3A_138, %get3A_143 : vector<16xf32>
    %get3A_145 = arith.constant 19 : i32
    %get3A_146 = arith.index_cast %get3A_145 : i32 to index
    %get3A_147 = arith.constant 0 : index
    %get3A_148 = tpu.vector_load %arg4[%get3A_146, %get3A_147] {strides = array<i32>} : memref<32x128xf32, #tpu.memory_space<vmem>>, vector<1x16xf32>,
    %get3A_149 = vector.shape_cast %get3A_148 : vector<1x16xf32> to vector<16xf32>
    %add3A_150 = arith.addf %add3A_144, %get3A_149 : vector<16xf32>
    %get3A_151 = arith.constant 20 : i32
    %get3A_152 = arith.index_cast %get3A_151 : i32 to index
    %get3A_153 = arith.constant 0 : index
    %get3A_154 = tpu.vector_load %arg4[%get3A_152, %get3A_153] {strides = array<i32>} : memref<32x128xf32, #tpu.memory_space<vmem>>, vector<1x16xf32>,
    %get3A_155 = vector.shape_cast %get3A_154 : vector<1x16xf32> to vector<16xf32>
    %add3A_156 = arith.addf %add3A_150, %get3A_155 : vector<16xf32>
    %get3A_157 = arith.constant 21 : i32
    %get3A_158 = arith.index_cast %get3A_157 : i32 to index
    %get3A_159 = arith.constant 0 : index
    %get3A_160 = tpu.vector_load %arg4[%get3A_158, %get3A_159] {strides = array<i32>} : memref<32x128xf32, #tpu.memory_space<vmem>>, vector<1x16xf32>,
    %get3A_161 = vector.shape_cast %get3A_160 : vector<1x16xf32> to vector<16xf32>
    %add3A_162 = arith.addf %add3A_156, %get3A_161 : vector<16xf32>
    %get3A_163 = arith.constant 22 : i32
    %get3A_164 = arith.index_cast %get3A_163 : i32 to index
    %get3A_165 = arith.constant 0 : index
    %get3A_166 = tpu.vector_load %arg4[%get3A_164, %get3A_165] {strides = array<i32>} : memref<32x128xf32, #tpu.memory_space<vmem>>, vector<1x16xf32>,
    %get3A_167 = vector.shape_cast %get3A_166 : vector<1x16xf32> to vector<16xf32>
    %add3A_168 = arith.addf %add3A_162, %get3A_167 : vector<16xf32>
    %get3A_169 = arith.constant 23 : i32
    %get3A_170 = arith.index_cast %get3A_169 : i32 to index
    %get3A_171 = arith.constant 0 : index
    %get3A_172 = tpu.vector_load %arg4[%get3A_170, %get3A_171] {strides = array<i32>} : memref<32x128xf32, #tpu.memory_space<vmem>>, vector<1x16xf32>,
    %get3A_173 = vector.shape_cast %get3A_172 : vector<1x16xf32> to vector<16xf32>
    %add3A_174 = arith.addf %add3A_168, %get3A_173 : vector<16xf32>
    %get3A_175 = arith.constant 24 : i32
    %get3A_176 = arith.index_cast %get3A_175 : i32 to index
    %get3A_177 = arith.constant 0 : index
    %get3A_178 = tpu.vector_load %arg4[%get3A_176, %get3A_177] {strides = array<i32>} : memref<32x128xf32, #tpu.memory_space<vmem>>, vector<1x16xf32>,
    %get3A_179 = vector.shape_cast %get3A_178 : vector<1x16xf32> to vector<16xf32>
    %add3A_180 = arith.addf %add3A_174, %get3A_179 : vector<16xf32>
    %get3A_181 = arith.constant 25 : i32
    %get3A_182 = arith.index_cast %get3A_181 : i32 to index
    %get3A_183 = arith.constant 0 : index
    %get3A_184 = tpu.vector_load %arg4[%get3A_182, %get3A_183] {strides = array<i32>} : memref<32x128xf32, #tpu.memory_space<vmem>>, vector<1x16xf32>,
    %get3A_185 = vector.shape_cast %get3A_184 : vector<1x16xf32> to vector<16xf32>
    %add3A_186 = arith.addf %add3A_180, %get3A_185 : vector<16xf32>
    %get3A_187 = arith.constant 26 : i32
    %get3A_188 = arith.index_cast %get3A_187 : i32 to index
    %get3A_189 = arith.constant 0 : index
    %get3A_190 = tpu.vector_load %arg4[%get3A_188, %get3A_189] {strides = array<i32>} : memref<32x128xf32, #tpu.memory_space<vmem>>, vector<1x16xf32>,
    %get3A_191 = vector.shape_cast %get3A_190 : vector<1x16xf32> to vector<16xf32>
    %add3A_192 = arith.addf %add3A_186, %get3A_191 : vector<16xf32>
    %get3A_193 = arith.constant 27 : i32
    %get3A_194 = arith.index_cast %get3A_193 : i32 to index
    %get3A_195 = arith.constant 0 : index
    %get3A_196 = tpu.vector_load %arg4[%get3A_194, %get3A_195] {strides = array<i32>} : memref<32x128xf32, #tpu.memory_space<vmem>>, vector<1x16xf32>,
    %get3A_197 = vector.shape_cast %get3A_196 : vector<1x16xf32> to vector<16xf32>
    %add3A_198 = arith.addf %add3A_192, %get3A_197 : vector<16xf32>
    %get3A_199 = arith.constant 28 : i32
    %get3A_200 = arith.index_cast %get3A_199 : i32 to index
    %get3A_201 = arith.constant 0 : index
    %get3A_202 = tpu.vector_load %arg4[%get3A_200, %get3A_201] {strides = array<i32>} : memref<32x128xf32, #tpu.memory_space<vmem>>, vector<1x16xf32>,
    %get3A_203 = vector.shape_cast %get3A_202 : vector<1x16xf32> to vector<16xf32>
    %add3A_204 = arith.addf %add3A_198, %get3A_203 : vector<16xf32>
    %get3A_205 = arith.constant 29 : i32
    %get3A_206 = arith.index_cast %get3A_205 : i32 to index
    %get3A_207 = arith.constant 0 : index
    %get3A_208 = tpu.vector_load %arg4[%get3A_206, %get3A_207] {strides = array<i32>} : memref<32x128xf32, #tpu.memory_space<vmem>>, vector<1x16xf32>,
    %get3A_209 = vector.shape_cast %get3A_208 : vector<1x16xf32> to vector<16xf32>
    %add3A_210 = arith.addf %add3A_204, %get3A_209 : vector<16xf32>
    %get3A_211 = arith.constant 30 : i32
    %get3A_212 = arith.index_cast %get3A_211 : i32 to index
    %get3A_213 = arith.constant 0 : index
    %get3A_214 = tpu.vector_load %arg4[%get3A_212, %get3A_213] {strides = array<i32>} : memref<32x128xf32, #tpu.memory_space<vmem>>, vector<1x16xf32>,
    %get3A_215 = vector.shape_cast %get3A_214 : vector<1x16xf32> to vector<16xf32>
    %add3A_216 = arith.addf %add3A_210, %get3A_215 : vector<16xf32>
    %get3A_217 = arith.constant 31 : i32
    %get3A_218 = arith.index_cast %get3A_217 : i32 to index
    %get3A_219 = arith.constant 0 : index
    %get3A_220 = tpu.vector_load %arg4[%get3A_218, %get3A_219] {strides = array<i32>} : memref<32x128xf32, #tpu.memory_space<vmem>>, vector<1x16xf32>,
    %get3A_221 = vector.shape_cast %get3A_220 : vector<1x16xf32> to vector<16xf32>
    %add3A_222 = arith.addf %add3A_216, %get3A_221 : vector<16xf32>
    %mul3A_223 = arith.constant 3.125000e-02 : f32
    %mul3A_224 = vector.broadcast %mul3A_223 : f32 to vector<16xf32>
    %mul3A_225 = arith.mulf %add3A_222, %mul3A_224 : vector<16xf32>
    %get3A_226 = arith.constant 0 : i32
    %get3A_227 = arith.index_cast %get3A_226 : i32 to index
    %get3A_228 = arith.constant 16 : index
    %get3A_229 = tpu.vector_load %arg4[%get3A_227, %get3A_228] {strides = array<i32>} : memref<32x128xf32, #tpu.memory_space<vmem>>, vector<1x16xf32>,
    %get3A_230 = vector.shape_cast %get3A_229 : vector<1x16xf32> to vector<16xf32>
    %get3A_231 = arith.constant 1 : i32
    %get3A_232 = arith.index_cast %get3A_231 : i32 to index
    %get3A_233 = arith.constant 16 : index
    %get3A_234 = tpu.vector_load %arg4[%get3A_232, %get3A_233] {strides = array<i32>} : memref<32x128xf32, #tpu.memory_space<vmem>>, vector<1x16xf32>,
    %get3A_235 = vector.shape_cast %get3A_234 : vector<1x16xf32> to vector<16xf32>
    %add3A_236 = arith.addf %get3A_230, %get3A_235 : vector<16xf32>
    %get3A_237 = arith.constant 2 : i32
    %get3A_238 = arith.index_cast %get3A_237 : i32 to index
    %get3A_239 = arith.constant 16 : index
    %get3A_240 = tpu.vector_load %arg4[%get3A_238, %get3A_239] {strides = array<i32>} : memref<32x128xf32, #tpu.memory_space<vmem>>, vector<1x16xf32>,
    %get3A_241 = vector.shape_cast %get3A_240 : vector<1x16xf32> to vector<16xf32>
    %add3A_242 = arith.addf %add3A_236, %get3A_241 : vector<16xf32>
    %get3A_243 = arith.constant 3 : i32
    %get3A_244 = arith.index_cast %get3A_243 : i32 to index
    %get3A_245 = arith.constant 16 : index
    %get3A_246 = tpu.vector_load %arg4[%get3A_244, %get3A_245] {strides = array<i32>} : memref<32x128xf32, #tpu.memory_space<vmem>>, vector<1x16xf32>,
    %get3A_247 = vector.shape_cast %get3A_246 : vector<1x16xf32> to vector<16xf32>
    %add3A_248 = arith.addf %add3A_242, %get3A_247 : vector<16xf32>
    %get3A_249 = arith.constant 4 : i32
    %get3A_250 = arith.index_cast %get3A_249 : i32 to index
    %get3A_251 = arith.constant 16 : index
    %get3A_252 = tpu.vector_load %arg4[%get3A_250, %get3A_251] {strides = array<i32>} : memref<32x128xf32, #tpu.memory_space<vmem>>, vector<1x16xf32>,
    %get3A_253 = vector.shape_cast %get3A_252 : vector<1x16xf32> to vector<16xf32>
    %add3A_254 = arith.addf %add3A_248, %get3A_253 : vector<16xf32>
    %get3A_255 = arith.constant 5 : i32
    %get3A_256 = arith.index_cast %get3A_255 : i32 to index
    %get3A_257 = arith.constant 16 : index
    %get3A_258 = tpu.vector_load %arg4[%get3A_256, %get3A_257] {strides = array<i32>} : memref<32x128xf32, #tpu.memory_space<vmem>>, vector<1x16xf32>,
    %get3A_259 = vector.shape_cast %get3A_258 : vector<1x16xf32> to vector<16xf32>
    %add3A_260 = arith.addf %add3A_254, %get3A_259 : vector<16xf32>
    %get3A_261 = arith.constant 6 : i32
    %get3A_262 = arith.index_cast %get3A_261 : i32 to index
    %get3A_263 = arith.constant 16 : index
    %get3A_264 = tpu.vector_load %arg4[%get3A_262, %get3A_263] {strides = array<i32>} : memref<32x128xf32, #tpu.memory_space<vmem>>, vector<1x16xf32>,
    %get3A_265 = vector.shape_cast %get3A_264 : vector<1x16xf32> to vector<16xf32>
    %add3A_266 = arith.addf %add3A_260, %get3A_265 : vector<16xf32>
    %get3A_267 = arith.constant 7 : i32
    %get3A_268 = arith.index_cast %get3A_267 : i32 to index
    %get3A_269 = arith.constant 16 : index
    %get3A_270 = tpu.vector_load %arg4[%get3A_268, %get3A_269] {strides = array<i32>} : memref<32x128xf32, #tpu.memory_space<vmem>>, vector<1x16xf32>,
    %get3A_271 = vector.shape_cast %get3A_270 : vector<1x16xf32> to vector<16xf32>
    %add3A_272 = arith.addf %add3A_266, %get3A_271 : vector<16xf32>
    %get3A_273 = arith.constant 8 : i32
    %get3A_274 = arith.index_cast %get3A_273 : i32 to index
    %get3A_275 = arith.constant 16 : index
    %get3A_276 = tpu.vector_load %arg4[%get3A_274, %get3A_275] {strides = array<i32>} : memref<32x128xf32, #tpu.memory_space<vmem>>, vector<1x16xf32>,
    %get3A_277 = vector.shape_cast %get3A_276 : vector<1x16xf32> to vector<16xf32>
    %add3A_278 = arith.addf %add3A_272, %get3A_277 : vector<16xf32>
    %get3A_279 = arith.constant 9 : i32
    %get3A_280 = arith.index_cast %get3A_279 : i32 to index
    %get3A_281 = arith.constant 16 : index
    %get3A_282 = tpu.vector_load %arg4[%get3A_280, %get3A_281] {strides = array<i32>} : memref<32x128xf32, #tpu.memory_space<vmem>>, vector<1x16xf32>,
    %get3A_283 = vector.shape_cast %get3A_282 : vector<1x16xf32> to vector<16xf32>
    %add3A_284 = arith.addf %add3A_278, %get3A_283 : vector<16xf32>
    %get3A_285 = arith.constant 10 : i32
    %get3A_286 = arith.index_cast %get3A_285 : i32 to index
    %get3A_287 = arith.constant 16 : index
    %get3A_288 = tpu.vector_load %arg4[%get3A_286, %get3A_287] {strides = array<i32>} : memref<32x128xf32, #tpu.memory_space<vmem>>, vector<1x16xf32>,
    %get3A_289 = vector.shape_cast %get3A_288 : vector<1x16xf32> to vector<16xf32>
    %add3A_290 = arith.addf %add3A_284, %get3A_289 : vector<16xf32>
    %get3A_291 = arith.constant 11 : i32
    %get3A_292 = arith.index_cast %get3A_291 : i32 to index
    %get3A_293 = arith.constant 16 : index
    %get3A_294 = tpu.vector_load %arg4[%get3A_292, %get3A_293] {strides = array<i32>} : memref<32x128xf32, #tpu.memory_space<vmem>>, vector<1x16xf32>,
    %get3A_295 = vector.shape_cast %get3A_294 : vector<1x16xf32> to vector<16xf32>
    %add3A_296 = arith.addf %add3A_290, %get3A_295 : vector<16xf32>
    %get3A_297 = arith.constant 12 : i32
    %get3A_298 = arith.index_cast %get3A_297 : i32 to index
    %get3A_299 = arith.constant 16 : index
    %get3A_300 = tpu.vector_load %arg4[%get3A_298, %get3A_299] {strides = array<i32>} : memref<32x128xf32, #tpu.memory_space<vmem>>, vector<1x16xf32>,
    %get3A_301 = vector.shape_cast %get3A_300 : vector<1x16xf32> to vector<16xf32>
    %add3A_302 = arith.addf %add3A_296, %get3A_301 : vector<16xf32>
    %get3A_303 = arith.constant 13 : i32
    %get3A_304 = arith.index_cast %get3A_303 : i32 to index
    %get3A_305 = arith.constant 16 : index
    %get3A_306 = tpu.vector_load %arg4[%get3A_304, %get3A_305] {strides = array<i32>} : memref<32x128xf32, #tpu.memory_space<vmem>>, vector<1x16xf32>,
    %get3A_307 = vector.shape_cast %get3A_306 : vector<1x16xf32> to vector<16xf32>
    %add3A_308 = arith.addf %add3A_302, %get3A_307 : vector<16xf32>
    %get3A_309 = arith.constant 14 : i32
    %get3A_310 = arith.index_cast %get3A_309 : i32 to index
    %get3A_311 = arith.constant 16 : index
    %get3A_312 = tpu.vector_load %arg4[%get3A_310, %get3A_311] {strides = array<i32>} : memref<32x128xf32, #tpu.memory_space<vmem>>, vector<1x16xf32>,
    %get3A_313 = vector.shape_cast %get3A_312 : vector<1x16xf32> to vector<16xf32>
    %add3A_314 = arith.addf %add3A_308, %get3A_313 : vector<16xf32>
    %get3A_315 = arith.constant 15 : i32
    %get3A_316 = arith.index_cast %get3A_315 : i32 to index
    %get3A_317 = arith.constant 16 : index
    %get3A_318 = tpu.vector_load %arg4[%get3A_316, %get3A_317] {strides = array<i32>} : memref<32x128xf32, #tpu.memory_space<vmem>>, vector<1x16xf32>,
    %get3A_319 = vector.shape_cast %get3A_318 : vector<1x16xf32> to vector<16xf32>
    %add3A_320 = arith.addf %add3A_314, %get3A_319 : vector<16xf32>
    %get3A_321 = arith.constant 16 : i32
    %get3A_322 = arith.index_cast %get3A_321 : i32 to index
    %get3A_323 = arith.constant 16 : index
    %get3A_324 = tpu.vector_load %arg4[%get3A_322, %get3A_323] {strides = array<i32>} : memref<32x128xf32, #tpu.memory_space<vmem>>, vector<1x16xf32>,
    %get3A_325 = vector.shape_cast %get3A_324 : vector<1x16xf32> to vector<16xf32>
    %add3A_326 = arith.addf %add3A_320, %get3A_325 : vector<16xf32>
    %get3A_327 = arith.constant 17 : i32
    %get3A_328 = arith.index_cast %get3A_327 : i32 to index
    %get3A_329 = arith.constant 16 : index
    %get3A_330 = tpu.vector_load %arg4[%get3A_328, %get3A_329] {strides = array<i32>} : memref<32x128xf32, #tpu.memory_space<vmem>>, vector<1x16xf32>,
    %get3A_331 = vector.shape_cast %get3A_330 : vector<1x16xf32> to vector<16xf32>
    %add3A_332 = arith.addf %add3A_326, %get3A_331 : vector<16xf32>
    %get3A_333 = arith.constant 18 : i32
    %get3A_334 = arith.index_cast %get3A_333 : i32 to index
    %get3A_335 = arith.constant 16 : index
    %get3A_336 = tpu.vector_load %arg4[%get3A_334, %get3A_335] {strides = array<i32>} : memref<32x128xf32, #tpu.memory_space<vmem>>, vector<1x16xf32>,
    %get3A_337 = vector.shape_cast %get3A_336 : vector<1x16xf32> to vector<16xf32>
    %add3A_338 = arith.addf %add3A_332, %get3A_337 : vector<16xf32>
    %get3A_339 = arith.constant 19 : i32
    %get3A_340 = arith.index_cast %get3A_339 : i32 to index
    %get3A_341 = arith.constant 16 : index
    %get3A_342 = tpu.vector_load %arg4[%get3A_340, %get3A_341] {strides = array<i32>} : memref<32x128xf32, #tpu.memory_space<vmem>>, vector<1x16xf32>,
    %get3A_343 = vector.shape_cast %get3A_342 : vector<1x16xf32> to vector<16xf32>
    %add3A_344 = arith.addf %add3A_338, %get3A_343 : vector<16xf32>
    %get3A_345 = arith.constant 20 : i32
    %get3A_346 = arith.index_cast %get3A_345 : i32 to index
    %get3A_347 = arith.constant 16 : index
    %get3A_348 = tpu.vector_load %arg4[%get3A_346, %get3A_347] {strides = array<i32>} : memref<32x128xf32, #tpu.memory_space<vmem>>, vector<1x16xf32>,
    %get3A_349 = vector.shape_cast %get3A_348 : vector<1x16xf32> to vector<16xf32>
    %add3A_350 = arith.addf %add3A_344, %get3A_349 : vector<16xf32>
    %get3A_351 = arith.constant 21 : i32
    %get3A_352 = arith.index_cast %get3A_351 : i32 to index
    %get3A_353 = arith.constant 16 : index
    %get3A_354 = tpu.vector_load %arg4[%get3A_352, %get3A_353] {strides = array<i32>} : memref<32x128xf32, #tpu.memory_space<vmem>>, vector<1x16xf32>,
    %get3A_355 = vector.shape_cast %get3A_354 : vector<1x16xf32> to vector<16xf32>
    %add3A_356 = arith.addf %add3A_350, %get3A_355 : vector<16xf32>
    %get3A_357 = arith.constant 22 : i32
    %get3A_358 = arith.index_cast %get3A_357 : i32 to index
    %get3A_359 = arith.constant 16 : index
    %get3A_360 = tpu.vector_load %arg4[%get3A_358, %get3A_359] {strides = array<i32>} : memref<32x128xf32, #tpu.memory_space<vmem>>, vector<1x16xf32>,
    %get3A_361 = vector.shape_cast %get3A_360 : vector<1x16xf32> to vector<16xf32>
    %add3A_362 = arith.addf %add3A_356, %get3A_361 : vector<16xf32>
    %get3A_363 = arith.constant 23 : i32
    %get3A_364 = arith.index_cast %get3A_363 : i32 to index
    %get3A_365 = arith.constant 16 : index
    %get3A_366 = tpu.vector_load %arg4[%get3A_364, %get3A_365] {strides = array<i32>} : memref<32x128xf32, #tpu.memory_space<vmem>>, vector<1x16xf32>,
    %get3A_367 = vector.shape_cast %get3A_366 : vector<1x16xf32> to vector<16xf32>
    %add3A_368 = arith.addf %add3A_362, %get3A_367 : vector<16xf32>
    %get3A_369 = arith.constant 24 : i32
    %get3A_370 = arith.index_cast %get3A_369 : i32 to index
    %get3A_371 = arith.constant 16 : index
    %get3A_372 = tpu.vector_load %arg4[%get3A_370, %get3A_371] {strides = array<i32>} : memref<32x128xf32, #tpu.memory_space<vmem>>, vector<1x16xf32>,
    %get3A_373 = vector.shape_cast %get3A_372 : vector<1x16xf32> to vector<16xf32>
    %add3A_374 = arith.addf %add3A_368, %get3A_373 : vector<16xf32>
    %get3A_375 = arith.constant 25 : i32
    %get3A_376 = arith.index_cast %get3A_375 : i32 to index
    %get3A_377 = arith.constant 16 : index
    %get3A_378 = tpu.vector_load %arg4[%get3A_376, %get3A_377] {strides = array<i32>} : memref<32x128xf32, #tpu.memory_space<vmem>>, vector<1x16xf32>,
    %get3A_379 = vector.shape_cast %get3A_378 : vector<1x16xf32> to vector<16xf32>
    %add3A_380 = arith.addf %add3A_374, %get3A_379 : vector<16xf32>
    %get3A_381 = arith.constant 26 : i32
    %get3A_382 = arith.index_cast %get3A_381 : i32 to index
    %get3A_383 = arith.constant 16 : index
    %get3A_384 = tpu.vector_load %arg4[%get3A_382, %get3A_383] {strides = array<i32>} : memref<32x128xf32, #tpu.memory_space<vmem>>, vector<1x16xf32>,
    %get3A_385 = vector.shape_cast %get3A_384 : vector<1x16xf32> to vector<16xf32>
    %add3A_386 = arith.addf %add3A_380, %get3A_385 : vector<16xf32>
    %get3A_387 = arith.constant 27 : i32
    %get3A_388 = arith.index_cast %get3A_387 : i32 to index
    %get3A_389 = arith.constant 16 : index
    %get3A_390 = tpu.vector_load %arg4[%get3A_388, %get3A_389] {strides = array<i32>} : memref<32x128xf32, #tpu.memory_space<vmem>>, vector<1x16xf32>,
    %get3A_391 = vector.shape_cast %get3A_390 : vector<1x16xf32> to vector<16xf32>
    %add3A_392 = arith.addf %add3A_386, %get3A_391 : vector<16xf32>
    %get3A_393 = arith.constant 28 : i32
    %get3A_394 = arith.index_cast %get3A_393 : i32 to index
    %get3A_395 = arith.constant 16 : index
    %get3A_396 = tpu.vector_load %arg4[%get3A_394, %get3A_395] {strides = array<i32>} : memref<32x128xf32, #tpu.memory_space<vmem>>, vector<1x16xf32>,
    %get3A_397 = vector.shape_cast %get3A_396 : vector<1x16xf32> to vector<16xf32>
    %add3A_398 = arith.addf %add3A_392, %get3A_397 : vector<16xf32>
    %get3A_399 = arith.constant 29 : i32
    %get3A_400 = arith.index_cast %get3A_399 : i32 to index
    %get3A_401 = arith.constant 16 : index
    %get3A_402 = tpu.vector_load %arg4[%get3A_400, %get3A_401] {strides = array<i32>} : memref<32x128xf32, #tpu.memory_space<vmem>>, vector<1x16xf32>,
    %get3A_403 = vector.shape_cast %get3A_402 : vector<1x16xf32> to vector<16xf32>
    %add3A_404 = arith.addf %add3A_398, %get3A_403 : vector<16xf32>
    %get3A_405 = arith.constant 30 : i32
    %get3A_406 = arith.index_cast %get3A_405 : i32 to index
    %get3A_407 = arith.constant 16 : index
    %get3A_408 = tpu.vector_load %arg4[%get3A_406, %get3A_407] {strides = array<i32>} : memref<32x128xf32, #tpu.memory_space<vmem>>, vector<1x16xf32>,
    %get3A_409 = vector.shape_cast %get3A_408 : vector<1x16xf32> to vector<16xf32>
    %add3A_410 = arith.addf %add3A_404, %get3A_409 : vector<16xf32>
    %get3A_411 = arith.constant 31 : i32
    %get3A_412 = arith.index_cast %get3A_411 : i32 to index
    %get3A_413 = arith.constant 16 : index
    %get3A_414 = tpu.vector_load %arg4[%get3A_412, %get3A_413] {strides = array<i32>} : memref<32x128xf32, #tpu.memory_space<vmem>>, vector<1x16xf32>,
    %get3A_415 = vector.shape_cast %get3A_414 : vector<1x16xf32> to vector<16xf32>
    %add3A_416 = arith.addf %add3A_410, %get3A_415 : vector<16xf32>
    %mul3A_417 = arith.constant 3.125000e-02 : f32
    %mul3A_418 = vector.broadcast %mul3A_417 : f32 to vector<16xf32>
    %mul3A_419 = arith.mulf %add3A_416, %mul3A_418 : vector<16xf32>
    %get3A_420 = arith.constant 0 : i32
    %get3A_421 = arith.index_cast %get3A_420 : i32 to index
    %get3A_422 = arith.constant 32 : index
    %get3A_423 = tpu.vector_load %arg4[%get3A_421, %get3A_422] {strides = array<i32>} : memref<32x128xf32, #tpu.memory_space<vmem>>, vector<1x16xf32>,
    %get3A_424 = vector.shape_cast %get3A_423 : vector<1x16xf32> to vector<16xf32>
    %get3A_425 = arith.constant 1 : i32
    %get3A_426 = arith.index_cast %get3A_425 : i32 to index
    %get3A_427 = arith.constant 32 : index
    %get3A_428 = tpu.vector_load %arg4[%get3A_426, %get3A_427] {strides = array<i32>} : memref<32x128xf32, #tpu.memory_space<vmem>>, vector<1x16xf32>,
    %get3A_429 = vector.shape_cast %get3A_428 : vector<1x16xf32> to vector<16xf32>
    %add3A_430 = arith.addf %get3A_424, %get3A_429 : vector<16xf32>
    %get3A_431 = arith.constant 2 : i32
    %get3A_432 = arith.index_cast %get3A_431 : i32 to index
    %get3A_433 = arith.constant 32 : index
    %get3A_434 = tpu.vector_load %arg4[%get3A_432, %get3A_433] {strides = array<i32>} : memref<32x128xf32, #tpu.memory_space<vmem>>, vector<1x16xf32>,
    %get3A_435 = vector.shape_cast %get3A_434 : vector<1x16xf32> to vector<16xf32>
    %add3A_436 = arith.addf %add3A_430, %get3A_435 : vector<16xf32>
    %get3A_437 = arith.constant 3 : i32
    %get3A_438 = arith.index_cast %get3A_437 : i32 to index
    %get3A_439 = arith.constant 32 : index
    %get3A_440 = tpu.vector_load %arg4[%get3A_438, %get3A_439] {strides = array<i32>} : memref<32x128xf32, #tpu.memory_space<vmem>>, vector<1x16xf32>,
    %get3A_441 = vector.shape_cast %get3A_440 : vector<1x16xf32> to vector<16xf32>
    %add3A_442 = arith.addf %add3A_436, %get3A_441 : vector<16xf32>
    %get3A_443 = arith.constant 4 : i32
    %get3A_444 = arith.index_cast %get3A_443 : i32 to index
    %get3A_445 = arith.constant 32 : index
    %get3A_446 = tpu.vector_load %arg4[%get3A_444, %get3A_445] {strides = array<i32>} : memref<32x128xf32, #tpu.memory_space<vmem>>, vector<1x16xf32>,
    %get3A_447 = vector.shape_cast %get3A_446 : vector<1x16xf32> to vector<16xf32>
    %add3A_448 = arith.addf %add3A_442, %get3A_447 : vector<16xf32>
    %get3A_449 = arith.constant 5 : i32
    %get3A_450 = arith.index_cast %get3A_449 : i32 to index
    %get3A_451 = arith.constant 32 : index
    %get3A_452 = tpu.vector_load %arg4[%get3A_450, %get3A_451] {strides = array<i32>} : memref<32x128xf32, #tpu.memory_space<vmem>>, vector<1x16xf32>,
    %get3A_453 = vector.shape_cast %get3A_452 : vector<1x16xf32> to vector<16xf32>
    %add3A_454 = arith.addf %add3A_448, %get3A_453 : vector<16xf32>
    %get3A_455 = arith.constant 6 : i32
    %get3A_456 = arith.index_cast %get3A_455 : i32 to index
    %get3A_457 = arith.constant 32 : index
    %get3A_458 = tpu.vector_load %arg4[%get3A_456, %get3A_457] {strides = array<i32>} : memref<32x128xf32, #tpu.memory_space<vmem>>, vector<1x16xf32>,
    %get3A_459 = vector.shape_cast %get3A_458 : vector<1x16xf32> to vector<16xf32>
    %add3A_460 = arith.addf %add3A_454, %get3A_459 : vector<16xf32>
    %get3A_461 = arith.constant 7 : i32
    %get3A_462 = arith.index_cast %get3A_461 : i32 to index
    %get3A_463 = arith.constant 32 : index
    %get3A_464 = tpu.vector_load %arg4[%get3A_462, %get3A_463] {strides = array<i32>} : memref<32x128xf32, #tpu.memory_space<vmem>>, vector<1x16xf32>,
    %get3A_465 = vector.shape_cast %get3A_464 : vector<1x16xf32> to vector<16xf32>
    %add3A_466 = arith.addf %add3A_460, %get3A_465 : vector<16xf32>
    %get3A_467 = arith.constant 8 : i32
    %get3A_468 = arith.index_cast %get3A_467 : i32 to index
    %get3A_469 = arith.constant 32 : index
    %get3A_470 = tpu.vector_load %arg4[%get3A_468, %get3A_469] {strides = array<i32>} : memref<32x128xf32, #tpu.memory_space<vmem>>, vector<1x16xf32>,
    %get3A_471 = vector.shape_cast %get3A_470 : vector<1x16xf32> to vector<16xf32>
    %add3A_472 = arith.addf %add3A_466, %get3A_471 : vector<16xf32>
    %get3A_473 = arith.constant 9 : i32
    %get3A_474 = arith.index_cast %get3A_473 : i32 to index
    %get3A_475 = arith.constant 32 : index
    %get3A_476 = tpu.vector_load %arg4[%get3A_474, %get3A_475] {strides = array<i32>} : memref<32x128xf32, #tpu.memory_space<vmem>>, vector<1x16xf32>,
    %get3A_477 = vector.shape_cast %get3A_476 : vector<1x16xf32> to vector<16xf32>
    %add3A_478 = arith.addf %add3A_472, %get3A_477 : vector<16xf32>
    %get3A_479 = arith.constant 10 : i32
    %get3A_480 = arith.index_cast %get3A_479 : i32 to index
    %get3A_481 = arith.constant 32 : index
    %get3A_482 = tpu.vector_load %arg4[%get3A_480, %get3A_481] {strides = array<i32>} : memref<32x128xf32, #tpu.memory_space<vmem>>, vector<1x16xf32>,
    %get3A_483 = vector.shape_cast %get3A_482 : vector<1x16xf32> to vector<16xf32>
    %add3A_484 = arith.addf %add3A_478, %get3A_483 : vector<16xf32>
    %get3A_485 = arith.constant 11 : i32
    %get3A_486 = arith.index_cast %get3A_485 : i32 to index
    %get3A_487 = arith.constant 32 : index
    %get3A_488 = tpu.vector_load %arg4[%get3A_486, %get3A_487] {strides = array<i32>} : memref<32x128xf32, #tpu.memory_space<vmem>>, vector<1x16xf32>,
    %get3A_489 = vector.shape_cast %get3A_488 : vector<1x16xf32> to vector<16xf32>
    %add3A_490 = arith.addf %add3A_484, %get3A_489 : vector<16xf32>
    %get3A_491 = arith.constant 12 : i32
    %get3A_492 = arith.index_cast %get3A_491 : i32 to index
    %get3A_493 = arith.constant 32 : index
    %get3A_494 = tpu.vector_load %arg4[%get3A_492, %get3A_493] {strides = array<i32>} : memref<32x128xf32, #tpu.memory_space<vmem>>, vector<1x16xf32>,
    %get3A_495 = vector.shape_cast %get3A_494 : vector<1x16xf32> to vector<16xf32>
    %add3A_496 = arith.addf %add3A_490, %get3A_495 : vector<16xf32>
    %get3A_497 = arith.constant 13 : i32
    %get3A_498 = arith.index_cast %get3A_497 : i32 to index
    %get3A_499 = arith.constant 32 : index
    %get3A_500 = tpu.vector_load %arg4[%get3A_498, %get3A_499] {strides = array<i32>} : memref<32x128xf32, #tpu.memory_space<vmem>>, vector<1x16xf32>,
    %get3A_501 = vector.shape_cast %get3A_500 : vector<1x16xf32> to vector<16xf32>
    %add3A_502 = arith.addf %add3A_496, %get3A_501 : vector<16xf32>
    %get3A_503 = arith.constant 14 : i32
    %get3A_504 = arith.index_cast %get3A_503 : i32 to index
    %get3A_505 = arith.constant 32 : index
    %get3A_506 = tpu.vector_load %arg4[%get3A_504, %get3A_505] {strides = array<i32>} : memref<32x128xf32, #tpu.memory_space<vmem>>, vector<1x16xf32>,
    %get3A_507 = vector.shape_cast %get3A_506 : vector<1x16xf32> to vector<16xf32>
    %add3A_508 = arith.addf %add3A_502, %get3A_507 : vector<16xf32>
    %get3A_509 = arith.constant 15 : i32
    %get3A_510 = arith.index_cast %get3A_509 : i32 to index
    %get3A_511 = arith.constant 32 : index
    %get3A_512 = tpu.vector_load %arg4[%get3A_510, %get3A_511] {strides = array<i32>} : memref<32x128xf32, #tpu.memory_space<vmem>>, vector<1x16xf32>,
    %get3A_513 = vector.shape_cast %get3A_512 : vector<1x16xf32> to vector<16xf32>
    %add3A_514 = arith.addf %add3A_508, %get3A_513 : vector<16xf32>
    %get3A_515 = arith.constant 16 : i32
    %get3A_516 = arith.index_cast %get3A_515 : i32 to index
    %get3A_517 = arith.constant 32 : index
    %get3A_518 = tpu.vector_load %arg4[%get3A_516, %get3A_517] {strides = array<i32>} : memref<32x128xf32, #tpu.memory_space<vmem>>, vector<1x16xf32>,
    %get3A_519 = vector.shape_cast %get3A_518 : vector<1x16xf32> to vector<16xf32>
    %add3A_520 = arith.addf %add3A_514, %get3A_519 : vector<16xf32>
    %get3A_521 = arith.constant 17 : i32
    %get3A_522 = arith.index_cast %get3A_521 : i32 to index
    %get3A_523 = arith.constant 32 : index
    %get3A_524 = tpu.vector_load %arg4[%get3A_522, %get3A_523] {strides = array<i32>} : memref<32x128xf32, #tpu.memory_space<vmem>>, vector<1x16xf32>,
    %get3A_525 = vector.shape_cast %get3A_524 : vector<1x16xf32> to vector<16xf32>
    %add3A_526 = arith.addf %add3A_520, %get3A_525 : vector<16xf32>
    %get3A_527 = arith.constant 18 : i32
    %get3A_528 = arith.index_cast %get3A_527 : i32 to index
    %get3A_529 = arith.constant 32 : index
    %get3A_530 = tpu.vector_load %arg4[%get3A_528, %get3A_529] {strides = array<i32>} : memref<32x128xf32, #tpu.memory_space<vmem>>, vector<1x16xf32>,
    %get3A_531 = vector.shape_cast %get3A_530 : vector<1x16xf32> to vector<16xf32>
    %add3A_532 = arith.addf %add3A_526, %get3A_531 : vector<16xf32>
    %get3A_533 = arith.constant 19 : i32
    %get3A_534 = arith.index_cast %get3A_533 : i32 to index
    %get3A_535 = arith.constant 32 : index
    %get3A_536 = tpu.vector_load %arg4[%get3A_534, %get3A_535] {strides = array<i32>} : memref<32x128xf32, #tpu.memory_space<vmem>>, vector<1x16xf32>,
    %get3A_537 = vector.shape_cast %get3A_536 : vector<1x16xf32> to vector<16xf32>
    %add3A_538 = arith.addf %add3A_532, %get3A_537 : vector<16xf32>
    %get3A_539 = arith.constant 20 : i32
    %get3A_540 = arith.index_cast %get3A_539 : i32 to index
    %get3A_541 = arith.constant 32 : index
    %get3A_542 = tpu.vector_load %arg4[%get3A_540, %get3A_541] {strides = array<i32>} : memref<32x128xf32, #tpu.memory_space<vmem>>, vector<1x16xf32>,
    %get3A_543 = vector.shape_cast %get3A_542 : vector<1x16xf32> to vector<16xf32>
    %add3A_544 = arith.addf %add3A_538, %get3A_543 : vector<16xf32>
    %get3A_545 = arith.constant 21 : i32
    %get3A_546 = arith.index_cast %get3A_545 : i32 to index
    %get3A_547 = arith.constant 32 : index
    %get3A_548 = tpu.vector_load %arg4[%get3A_546, %get3A_547] {strides = array<i32>} : memref<32x128xf32, #tpu.memory_space<vmem>>, vector<1x16xf32>,
    %get3A_549 = vector.shape_cast %get3A_548 : vector<1x16xf32> to vector<16xf32>
    %add3A_550 = arith.addf %add3A_544, %get3A_549 : vector<16xf32>
    %get3A_551 = arith.constant 22 : i32
    %get3A_552 = arith.index_cast %get3A_551 : i32 to index
    %get3A_553 = arith.constant 32 : index
    %get3A_554 = tpu.vector_load %arg4[%get3A_552, %get3A_553] {strides = array<i32>} : memref<32x128xf32, #tpu.memory_space<vmem>>, vector<1x16xf32>,
    %get3A_555 = vector.shape_cast %get3A_554 : vector<1x16xf32> to vector<16xf32>
    %add3A_556 = arith.addf %add3A_550, %get3A_555 : vector<16xf32>
    %get3A_557 = arith.constant 23 : i32
    %get3A_558 = arith.index_cast %get3A_557 : i32 to index
    %get3A_559 = arith.constant 32 : index
    %get3A_560 = tpu.vector_load %arg4[%get3A_558, %get3A_559] {strides = array<i32>} : memref<32x128xf32, #tpu.memory_space<vmem>>, vector<1x16xf32>,
    %get3A_561 = vector.shape_cast %get3A_560 : vector<1x16xf32> to vector<16xf32>
    %add3A_562 = arith.addf %add3A_556, %get3A_561 : vector<16xf32>
    %get3A_563 = arith.constant 24 : i32
    %get3A_564 = arith.index_cast %get3A_563 : i32 to index
    %get3A_565 = arith.constant 32 : index
    %get3A_566 = tpu.vector_load %arg4[%get3A_564, %get3A_565] {strides = array<i32>} : memref<32x128xf32, #tpu.memory_space<vmem>>, vector<1x16xf32>,
    %get3A_567 = vector.shape_cast %get3A_566 : vector<1x16xf32> to vector<16xf32>
    %add3A_568 = arith.addf %add3A_562, %get3A_567 : vector<16xf32>
    %get3A_569 = arith.constant 25 : i32
    %get3A_570 = arith.index_cast %get3A_569 : i32 to index
    %get3A_571 = arith.constant 32 : index
    %get3A_572 = tpu.vector_load %arg4[%get3A_570, %get3A_571] {strides = array<i32>} : memref<32x128xf32, #tpu.memory_space<vmem>>, vector<1x16xf32>,
    %get3A_573 = vector.shape_cast %get3A_572 : vector<1x16xf32> to vector<16xf32>
    %add3A_574 = arith.addf %add3A_568, %get3A_573 : vector<16xf32>
    %get3A_575 = arith.constant 26 : i32
    %get3A_576 = arith.index_cast %get3A_575 : i32 to index
    %get3A_577 = arith.constant 32 : index
    %get3A_578 = tpu.vector_load %arg4[%get3A_576, %get3A_577] {strides = array<i32>} : memref<32x128xf32, #tpu.memory_space<vmem>>, vector<1x16xf32>,
    %get3A_579 = vector.shape_cast %get3A_578 : vector<1x16xf32> to vector<16xf32>
    %add3A_580 = arith.addf %add3A_574, %get3A_579 : vector<16xf32>
    %get3A_581 = arith.constant 27 : i32
    %get3A_582 = arith.index_cast %get3A_581 : i32 to index
    %get3A_583 = arith.constant 32 : index
    %get3A_584 = tpu.vector_load %arg4[%get3A_582, %get3A_583] {strides = array<i32>} : memref<32x128xf32, #tpu.memory_space<vmem>>, vector<1x16xf32>,
    %get3A_585 = vector.shape_cast %get3A_584 : vector<1x16xf32> to vector<16xf32>
    %add3A_586 = arith.addf %add3A_580, %get3A_585 : vector<16xf32>
    %get3A_587 = arith.constant 28 : i32
    %get3A_588 = arith.index_cast %get3A_587 : i32 to index
    %get3A_589 = arith.constant 32 : index
    %get3A_590 = tpu.vector_load %arg4[%get3A_588, %get3A_589] {strides = array<i32>} : memref<32x128xf32, #tpu.memory_space<vmem>>, vector<1x16xf32>,
    %get3A_591 = vector.shape_cast %get3A_590 : vector<1x16xf32> to vector<16xf32>
    %add3A_592 = arith.addf %add3A_586, %get3A_591 : vector<16xf32>
    %get3A_593 = arith.constant 29 : i32
    %get3A_594 = arith.index_cast %get3A_593 : i32 to index
    %get3A_595 = arith.constant 32 : index
    %get3A_596 = tpu.vector_load %arg4[%get3A_594, %get3A_595] {strides = array<i32>} : memref<32x128xf32, #tpu.memory_space<vmem>>, vector<1x16xf32>,
    %get3A_597 = vector.shape_cast %get3A_596 : vector<1x16xf32> to vector<16xf32>
    %add3A_598 = arith.addf %add3A_592, %get3A_597 : vector<16xf32>
    %get3A_599 = arith.constant 30 : i32
    %get3A_600 = arith.index_cast %get3A_599 : i32 to index
    %get3A_601 = arith.constant 32 : index
    %get3A_602 = tpu.vector_load %arg4[%get3A_600, %get3A_601] {strides = array<i32>} : memref<32x128xf32, #tpu.memory_space<vmem>>, vector<1x16xf32>,
    %get3A_603 = vector.shape_cast %get3A_602 : vector<1x16xf32> to vector<16xf32>
    %add3A_604 = arith.addf %add3A_598, %get3A_603 : vector<16xf32>
    %get3A_605 = arith.constant 31 : i32
    %get3A_606 = arith.index_cast %get3A_605 : i32 to index
    %get3A_607 = arith.constant 32 : index
    %get3A_608 = tpu.vector_load %arg4[%get3A_606, %get3A_607] {strides = array<i32>} : memref<32x128xf32, #tpu.memory_space<vmem>>, vector<1x16xf32>,
    %get3A_609 = vector.shape_cast %get3A_608 : vector<1x16xf32> to vector<16xf32>
    %add3A_610 = arith.addf %add3A_604, %get3A_609 : vector<16xf32>
    %mul3A_611 = arith.constant 3.125000e-02 : f32
    %mul3A_612 = vector.broadcast %mul3A_611 : f32 to vector<16xf32>
    %mul3A_613 = arith.mulf %add3A_610, %mul3A_612 : vector<16xf32>
    %get3A_614 = arith.constant 0 : i32
    %get3A_615 = arith.index_cast %get3A_614 : i32 to index
    %get3A_616 = arith.constant 48 : index
    %get3A_617 = tpu.vector_load %arg4[%get3A_615, %get3A_616] {strides = array<i32>} : memref<32x128xf32, #tpu.memory_space<vmem>>, vector<1x16xf32>,
    %get3A_618 = vector.shape_cast %get3A_617 : vector<1x16xf32> to vector<16xf32>
    %get3A_619 = arith.constant 1 : i32
    %get3A_620 = arith.index_cast %get3A_619 : i32 to index
    %get3A_621 = arith.constant 48 : index
    %get3A_622 = tpu.vector_load %arg4[%get3A_620, %get3A_621] {strides = array<i32>} : memref<32x128xf32, #tpu.memory_space<vmem>>, vector<1x16xf32>,
    %get3A_623 = vector.shape_cast %get3A_622 : vector<1x16xf32> to vector<16xf32>
    %add3A_624 = arith.addf %get3A_618, %get3A_623 : vector<16xf32>
    %get3A_625 = arith.constant 2 : i32
    %get3A_626 = arith.index_cast %get3A_625 : i32 to index
    %get3A_627 = arith.constant 48 : index
    %get3A_628 = tpu.vector_load %arg4[%get3A_626, %get3A_627] {strides = array<i32>} : memref<32x128xf32, #tpu.memory_space<vmem>>, vector<1x16xf32>,
    %get3A_629 = vector.shape_cast %get3A_628 : vector<1x16xf32> to vector<16xf32>
    %add3A_630 = arith.addf %add3A_624, %get3A_629 : vector<16xf32>
    %get3A_631 = arith.constant 3 : i32
    %get3A_632 = arith.index_cast %get3A_631 : i32 to index
    %get3A_633 = arith.constant 48 : index
    %get3A_634 = tpu.vector_load %arg4[%get3A_632, %get3A_633] {strides = array<i32>} : memref<32x128xf32, #tpu.memory_space<vmem>>, vector<1x16xf32>,
    %get3A_635 = vector.shape_cast %get3A_634 : vector<1x16xf32> to vector<16xf32>
    %add3A_636 = arith.addf %add3A_630, %get3A_635 : vector<16xf32>
    %get3A_637 = arith.constant 4 : i32
    %get3A_638 = arith.index_cast %get3A_637 : i32 to index
    %get3A_639 = arith.constant 48 : index
    %get3A_640 = tpu.vector_load %arg4[%get3A_638, %get3A_639] {strides = array<i32>} : memref<32x128xf32, #tpu.memory_space<vmem>>, vector<1x16xf32>,
    %get3A_641 = vector.shape_cast %get3A_640 : vector<1x16xf32> to vector<16xf32>
    %add3A_642 = arith.addf %add3A_636, %get3A_641 : vector<16xf32>
    %get3A_643 = arith.constant 5 : i32
    %get3A_644 = arith.index_cast %get3A_643 : i32 to index
    %get3A_645 = arith.constant 48 : index
    %get3A_646 = tpu.vector_load %arg4[%get3A_644, %get3A_645] {strides = array<i32>} : memref<32x128xf32, #tpu.memory_space<vmem>>, vector<1x16xf32>,
    %get3A_647 = vector.shape_cast %get3A_646 : vector<1x16xf32> to vector<16xf32>
    %add3A_648 = arith.addf %add3A_642, %get3A_647 : vector<16xf32>
    %get3A_649 = arith.constant 6 : i32
    %get3A_650 = arith.index_cast %get3A_649 : i32 to index
    %get3A_651 = arith.constant 48 : index
    %get3A_652 = tpu.vector_load %arg4[%get3A_650, %get3A_651] {strides = array<i32>} : memref<32x128xf32, #tpu.memory_space<vmem>>, vector<1x16xf32>,
    %get3A_653 = vector.shape_cast %get3A_652 : vector<1x16xf32> to vector<16xf32>
    %add3A_654 = arith.addf %add3A_648, %get3A_653 : vector<16xf32>
    %get3A_655 = arith.constant 7 : i32
    %get3A_656 = arith.index_cast %get3A_655 : i32 to index
    %get3A_657 = arith.constant 48 : index
    %get3A_658 = tpu.vector_load %arg4[%get3A_656, %get3A_657] {strides = array<i32>} : memref<32x128xf32, #tpu.memory_space<vmem>>, vector<1x16xf32>,
    %get3A_659 = vector.shape_cast %get3A_658 : vector<1x16xf32> to vector<16xf32>
    %add3A_660 = arith.addf %add3A_654, %get3A_659 : vector<16xf32>
    %get3A_661 = arith.constant 8 : i32
    %get3A_662 = arith.index_cast %get3A_661 : i32 to index
    %get3A_663 = arith.constant 48 : index
    %get3A_664 = tpu.vector_load %arg4[%get3A_662, %get3A_663] {strides = array<i32>} : memref<32x128xf32, #tpu.memory_space<vmem>>, vector<1x16xf32>,
    %get3A_665 = vector.shape_cast %get3A_664 : vector<1x16xf32> to vector<16xf32>
    %add3A_666 = arith.addf %add3A_660, %get3A_665 : vector<16xf32>
    %get3A_667 = arith.constant 9 : i32
    %get3A_668 = arith.index_cast %get3A_667 : i32 to index
    %get3A_669 = arith.constant 48 : index
    %get3A_670 = tpu.vector_load %arg4[%get3A_668, %get3A_669] {strides = array<i32>} : memref<32x128xf32, #tpu.memory_space<vmem>>, vector<1x16xf32>,
    %get3A_671 = vector.shape_cast %get3A_670 : vector<1x16xf32> to vector<16xf32>
    %add3A_672 = arith.addf %add3A_666, %get3A_671 : vector<16xf32>
    %get3A_673 = arith.constant 10 : i32
    %get3A_674 = arith.index_cast %get3A_673 : i32 to index
    %get3A_675 = arith.constant 48 : index
    %get3A_676 = tpu.vector_load %arg4[%get3A_674, %get3A_675] {strides = array<i32>} : memref<32x128xf32, #tpu.memory_space<vmem>>, vector<1x16xf32>,
    %get3A_677 = vector.shape_cast %get3A_676 : vector<1x16xf32> to vector<16xf32>
    %add3A_678 = arith.addf %add3A_672, %get3A_677 : vector<16xf32>
    %get3A_679 = arith.constant 11 : i32
    %get3A_680 = arith.index_cast %get3A_679 : i32 to index
    %get3A_681 = arith.constant 48 : index
    %get3A_682 = tpu.vector_load %arg4[%get3A_680, %get3A_681] {strides = array<i32>} : memref<32x128xf32, #tpu.memory_space<vmem>>, vector<1x16xf32>,
    %get3A_683 = vector.shape_cast %get3A_682 : vector<1x16xf32> to vector<16xf32>
    %add3A_684 = arith.addf %add3A_678, %get3A_683 : vector<16xf32>
    %get3A_685 = arith.constant 12 : i32
    %get3A_686 = arith.index_cast %get3A_685 : i32 to index
    %get3A_687 = arith.constant 48 : index
    %get3A_688 = tpu.vector_load %arg4[%get3A_686, %get3A_687] {strides = array<i32>} : memref<32x128xf32, #tpu.memory_space<vmem>>, vector<1x16xf32>,
    %get3A_689 = vector.shape_cast %get3A_688 : vector<1x16xf32> to vector<16xf32>
    %add3A_690 = arith.addf %add3A_684, %get3A_689 : vector<16xf32>
    %get3A_691 = arith.constant 13 : i32
    %get3A_692 = arith.index_cast %get3A_691 : i32 to index
    %get3A_693 = arith.constant 48 : index
    %get3A_694 = tpu.vector_load %arg4[%get3A_692, %get3A_693] {strides = array<i32>} : memref<32x128xf32, #tpu.memory_space<vmem>>, vector<1x16xf32>,
    %get3A_695 = vector.shape_cast %get3A_694 : vector<1x16xf32> to vector<16xf32>
    %add3A_696 = arith.addf %add3A_690, %get3A_695 : vector<16xf32>
    %get3A_697 = arith.constant 14 : i32
    %get3A_698 = arith.index_cast %get3A_697 : i32 to index
    %get3A_699 = arith.constant 48 : index
    %get3A_700 = tpu.vector_load %arg4[%get3A_698, %get3A_699] {strides = array<i32>} : memref<32x128xf32, #tpu.memory_space<vmem>>, vector<1x16xf32>,
    %get3A_701 = vector.shape_cast %get3A_700 : vector<1x16xf32> to vector<16xf32>
    %add3A_702 = arith.addf %add3A_696, %get3A_701 : vector<16xf32>
    %get3A_703 = arith.constant 15 : i32
    %get3A_704 = arith.index_cast %get3A_703 : i32 to index
    %get3A_705 = arith.constant 48 : index
    %get3A_706 = tpu.vector_load %arg4[%get3A_704, %get3A_705] {strides = array<i32>} : memref<32x128xf32, #tpu.memory_space<vmem>>, vector<1x16xf32>,
    %get3A_707 = vector.shape_cast %get3A_706 : vector<1x16xf32> to vector<16xf32>
    %add3A_708 = arith.addf %add3A_702, %get3A_707 : vector<16xf32>
    %get3A_709 = arith.constant 16 : i32
    %get3A_710 = arith.index_cast %get3A_709 : i32 to index
    %get3A_711 = arith.constant 48 : index
    %get3A_712 = tpu.vector_load %arg4[%get3A_710, %get3A_711] {strides = array<i32>} : memref<32x128xf32, #tpu.memory_space<vmem>>, vector<1x16xf32>,
    %get3A_713 = vector.shape_cast %get3A_712 : vector<1x16xf32> to vector<16xf32>
    %add3A_714 = arith.addf %add3A_708, %get3A_713 : vector<16xf32>
    %get3A_715 = arith.constant 17 : i32
    %get3A_716 = arith.index_cast %get3A_715 : i32 to index
    %get3A_717 = arith.constant 48 : index
    %get3A_718 = tpu.vector_load %arg4[%get3A_716, %get3A_717] {strides = array<i32>} : memref<32x128xf32, #tpu.memory_space<vmem>>, vector<1x16xf32>,
    %get3A_719 = vector.shape_cast %get3A_718 : vector<1x16xf32> to vector<16xf32>
    %add3A_720 = arith.addf %add3A_714, %get3A_719 : vector<16xf32>
    %get3A_721 = arith.constant 18 : i32
    %get3A_722 = arith.index_cast %get3A_721 : i32 to index
    %get3A_723 = arith.constant 48 : index
    %get3A_724 = tpu.vector_load %arg4[%get3A_722, %get3A_723] {strides = array<i32>} : memref<32x128xf32, #tpu.memory_space<vmem>>, vector<1x16xf32>,
    %get3A_725 = vector.shape_cast %get3A_724 : vector<1x16xf32> to vector<16xf32>
    %add3A_726 = arith.addf %add3A_720, %get3A_725 : vector<16xf32>
    %get3A_727 = arith.constant 19 : i32
    %get3A_728 = arith.index_cast %get3A_727 : i32 to index
    %get3A_729 = arith.constant 48 : index
    %get3A_730 = tpu.vector_load %arg4[%get3A_728, %get3A_729] {strides = array<i32>} : memref<32x128xf32, #tpu.memory_space<vmem>>, vector<1x16xf32>,
    %get3A_731 = vector.shape_cast %get3A_730 : vector<1x16xf32> to vector<16xf32>
    %add3A_732 = arith.addf %add3A_726, %get3A_731 : vector<16xf32>
    %get3A_733 = arith.constant 20 : i32
    %get3A_734 = arith.index_cast %get3A_733 : i32 to index
    %get3A_735 = arith.constant 48 : index
    %get3A_736 = tpu.vector_load %arg4[%get3A_734, %get3A_735] {strides = array<i32>} : memref<32x128xf32, #tpu.memory_space<vmem>>, vector<1x16xf32>,
    %get3A_737 = vector.shape_cast %get3A_736 : vector<1x16xf32> to vector<16xf32>
    %add3A_738 = arith.addf %add3A_732, %get3A_737 : vector<16xf32>
    %get3A_739 = arith.constant 21 : i32
    %get3A_740 = arith.index_cast %get3A_739 : i32 to index
    %get3A_741 = arith.constant 48 : index
    %get3A_742 = tpu.vector_load %arg4[%get3A_740, %get3A_741] {strides = array<i32>} : memref<32x128xf32, #tpu.memory_space<vmem>>, vector<1x16xf32>,
    %get3A_743 = vector.shape_cast %get3A_742 : vector<1x16xf32> to vector<16xf32>
    %add3A_744 = arith.addf %add3A_738, %get3A_743 : vector<16xf32>
    %get3A_745 = arith.constant 22 : i32
    %get3A_746 = arith.index_cast %get3A_745 : i32 to index
    %get3A_747 = arith.constant 48 : index
    %get3A_748 = tpu.vector_load %arg4[%get3A_746, %get3A_747] {strides = array<i32>} : memref<32x128xf32, #tpu.memory_space<vmem>>, vector<1x16xf32>,
    %get3A_749 = vector.shape_cast %get3A_748 : vector<1x16xf32> to vector<16xf32>
    %add3A_750 = arith.addf %add3A_744, %get3A_749 : vector<16xf32>
    %get3A_751 = arith.constant 23 : i32
    %get3A_752 = arith.index_cast %get3A_751 : i32 to index
    %get3A_753 = arith.constant 48 : index
    %get3A_754 = tpu.vector_load %arg4[%get3A_752, %get3A_753] {strides = array<i32>} : memref<32x128xf32, #tpu.memory_space<vmem>>, vector<1x16xf32>,
    %get3A_755 = vector.shape_cast %get3A_754 : vector<1x16xf32> to vector<16xf32>
    %add3A_756 = arith.addf %add3A_750, %get3A_755 : vector<16xf32>
    %get3A_757 = arith.constant 24 : i32
    %get3A_758 = arith.index_cast %get3A_757 : i32 to index
    %get3A_759 = arith.constant 48 : index
    %get3A_760 = tpu.vector_load %arg4[%get3A_758, %get3A_759] {strides = array<i32>} : memref<32x128xf32, #tpu.memory_space<vmem>>, vector<1x16xf32>,
    %get3A_761 = vector.shape_cast %get3A_760 : vector<1x16xf32> to vector<16xf32>
    %add3A_762 = arith.addf %add3A_756, %get3A_761 : vector<16xf32>
    %get3A_763 = arith.constant 25 : i32
    %get3A_764 = arith.index_cast %get3A_763 : i32 to index
    %get3A_765 = arith.constant 48 : index
    %get3A_766 = tpu.vector_load %arg4[%get3A_764, %get3A_765] {strides = array<i32>} : memref<32x128xf32, #tpu.memory_space<vmem>>, vector<1x16xf32>,
    %get3A_767 = vector.shape_cast %get3A_766 : vector<1x16xf32> to vector<16xf32>
    %add3A_768 = arith.addf %add3A_762, %get3A_767 : vector<16xf32>
    %get3A_769 = arith.constant 26 : i32
    %get3A_770 = arith.index_cast %get3A_769 : i32 to index
    %get3A_771 = arith.constant 48 : index
    %get3A_772 = tpu.vector_load %arg4[%get3A_770, %get3A_771] {strides = array<i32>} : memref<32x128xf32, #tpu.memory_space<vmem>>, vector<1x16xf32>,
    %get3A_773 = vector.shape_cast %get3A_772 : vector<1x16xf32> to vector<16xf32>
    %add3A_774 = arith.addf %add3A_768, %get3A_773 : vector<16xf32>
    %get3A_775 = arith.constant 27 : i32
    %get3A_776 = arith.index_cast %get3A_775 : i32 to index
    %get3A_777 = arith.constant 48 : index
    %get3A_778 = tpu.vector_load %arg4[%get3A_776, %get3A_777] {strides = array<i32>} : memref<32x128xf32, #tpu.memory_space<vmem>>, vector<1x16xf32>,
    %get3A_779 = vector.shape_cast %get3A_778 : vector<1x16xf32> to vector<16xf32>
    %add3A_780 = arith.addf %add3A_774, %get3A_779 : vector<16xf32>
    %get3A_781 = arith.constant 28 : i32
    %get3A_782 = arith.index_cast %get3A_781 : i32 to index
    %get3A_783 = arith.constant 48 : index
    %get3A_784 = tpu.vector_load %arg4[%get3A_782, %get3A_783] {strides = array<i32>} : memref<32x128xf32, #tpu.memory_space<vmem>>, vector<1x16xf32>,
    %get3A_785 = vector.shape_cast %get3A_784 : vector<1x16xf32> to vector<16xf32>
    %add3A_786 = arith.addf %add3A_780, %get3A_785 : vector<16xf32>
    %get3A_787 = arith.constant 29 : i32
    %get3A_788 = arith.index_cast %get3A_787 : i32 to index
    %get3A_789 = arith.constant 48 : index
    %get3A_790 = tpu.vector_load %arg4[%get3A_788, %get3A_789] {strides = array<i32>} : memref<32x128xf32, #tpu.memory_space<vmem>>, vector<1x16xf32>,
    %get3A_791 = vector.shape_cast %get3A_790 : vector<1x16xf32> to vector<16xf32>
    %add3A_792 = arith.addf %add3A_786, %get3A_791 : vector<16xf32>
    %get3A_793 = arith.constant 30 : i32
    %get3A_794 = arith.index_cast %get3A_793 : i32 to index
    %get3A_795 = arith.constant 48 : index
    %get3A_796 = tpu.vector_load %arg4[%get3A_794, %get3A_795] {strides = array<i32>} : memref<32x128xf32, #tpu.memory_space<vmem>>, vector<1x16xf32>,
    %get3A_797 = vector.shape_cast %get3A_796 : vector<1x16xf32> to vector<16xf32>
    %add3A_798 = arith.addf %add3A_792, %get3A_797 : vector<16xf32>
    %get3A_799 = arith.constant 31 : i32
    %get3A_800 = arith.index_cast %get3A_799 : i32 to index
    %get3A_801 = arith.constant 48 : index
    %get3A_802 = tpu.vector_load %arg4[%get3A_800, %get3A_801] {strides = array<i32>} : memref<32x128xf32, #tpu.memory_space<vmem>>, vector<1x16xf32>,
    %get3A_803 = vector.shape_cast %get3A_802 : vector<1x16xf32> to vector<16xf32>
    %add3A_804 = arith.addf %add3A_798, %get3A_803 : vector<16xf32>
    %mul3A_805 = arith.constant 3.125000e-02 : f32
    %mul3A_806 = vector.broadcast %mul3A_805 : f32 to vector<16xf32>
    %mul3A_807 = arith.mulf %add3A_804, %mul3A_806 : vector<16xf32>
    %get3A_808 = arith.constant 0 : i32
    %get3A_809 = arith.index_cast %get3A_808 : i32 to index
    %get3A_810 = arith.constant 64 : index
    %get3A_811 = tpu.vector_load %arg4[%get3A_809, %get3A_810] {strides = array<i32>} : memref<32x128xf32, #tpu.memory_space<vmem>>, vector<1x16xf32>,
    %get3A_812 = vector.shape_cast %get3A_811 : vector<1x16xf32> to vector<16xf32>
    %get3A_813 = arith.constant 1 : i32
    %get3A_814 = arith.index_cast %get3A_813 : i32 to index
    %get3A_815 = arith.constant 64 : index
    %get3A_816 = tpu.vector_load %arg4[%get3A_814, %get3A_815] {strides = array<i32>} : memref<32x128xf32, #tpu.memory_space<vmem>>, vector<1x16xf32>,
    %get3A_817 = vector.shape_cast %get3A_816 : vector<1x16xf32> to vector<16xf32>
    %add3A_818 = arith.addf %get3A_812, %get3A_817 : vector<16xf32>
    %get3A_819 = arith.constant 2 : i32
    %get3A_820 = arith.index_cast %get3A_819 : i32 to index
    %get3A_821 = arith.constant 64 : index
    %get3A_822 = tpu.vector_load %arg4[%get3A_820, %get3A_821] {strides = array<i32>} : memref<32x128xf32, #tpu.memory_space<vmem>>, vector<1x16xf32>,
    %get3A_823 = vector.shape_cast %get3A_822 : vector<1x16xf32> to vector<16xf32>
    %add3A_824 = arith.addf %add3A_818, %get3A_823 : vector<16xf32>
    %get3A_825 = arith.constant 3 : i32
    %get3A_826 = arith.index_cast %get3A_825 : i32 to index
    %get3A_827 = arith.constant 64 : index
    %get3A_828 = tpu.vector_load %arg4[%get3A_826, %get3A_827] {strides = array<i32>} : memref<32x128xf32, #tpu.memory_space<vmem>>, vector<1x16xf32>,
    %get3A_829 = vector.shape_cast %get3A_828 : vector<1x16xf32> to vector<16xf32>
    %add3A_830 = arith.addf %add3A_824, %get3A_829 : vector<16xf32>
    %get3A_831 = arith.constant 4 : i32
    %get3A_832 = arith.index_cast %get3A_831 : i32 to index
    %get3A_833 = arith.constant 64 : index
    %get3A_834 = tpu.vector_load %arg4[%get3A_832, %get3A_833] {strides = array<i32>} : memref<32x128xf32, #tpu.memory_space<vmem>>, vector<1x16xf32>,
    %get3A_835 = vector.shape_cast %get3A_834 : vector<1x16xf32> to vector<16xf32>
    %add3A_836 = arith.addf %add3A_830, %get3A_835 : vector<16xf32>
    %get3A_837 = arith.constant 5 : i32
    %get3A_838 = arith.index_cast %get3A_837 : i32 to index
    %get3A_839 = arith.constant 64 : index
    %get3A_840 = tpu.vector_load %arg4[%get3A_838, %get3A_839] {strides = array<i32>} : memref<32x128xf32, #tpu.memory_space<vmem>>, vector<1x16xf32>,
    %get3A_841 = vector.shape_cast %get3A_840 : vector<1x16xf32> to vector<16xf32>
    %add3A_842 = arith.addf %add3A_836, %get3A_841 : vector<16xf32>
    %get3A_843 = arith.constant 6 : i32
    %get3A_844 = arith.index_cast %get3A_843 : i32 to index
    %get3A_845 = arith.constant 64 : index
    %get3A_846 = tpu.vector_load %arg4[%get3A_844, %get3A_845] {strides = array<i32>} : memref<32x128xf32, #tpu.memory_space<vmem>>, vector<1x16xf32>,
    %get3A_847 = vector.shape_cast %get3A_846 : vector<1x16xf32> to vector<16xf32>
    %add3A_848 = arith.addf %add3A_842, %get3A_847 : vector<16xf32>
    %get3A_849 = arith.constant 7 : i32
    %get3A_850 = arith.index_cast %get3A_849 : i32 to index
    %get3A_851 = arith.constant 64 : index
    %get3A_852 = tpu.vector_load %arg4[%get3A_850, %get3A_851] {strides = array<i32>} : memref<32x128xf32, #tpu.memory_space<vmem>>, vector<1x16xf32>,
    %get3A_853 = vector.shape_cast %get3A_852 : vector<1x16xf32> to vector<16xf32>
    %add3A_854 = arith.addf %add3A_848, %get3A_853 : vector<16xf32>
    %get3A_855 = arith.constant 8 : i32
    %get3A_856 = arith.index_cast %get3A_855 : i32 to index
    %get3A_857 = arith.constant 64 : index
    %get3A_858 = tpu.vector_load %arg4[%get3A_856, %get3A_857] {strides = array<i32>} : memref<32x128xf32, #tpu.memory_space<vmem>>, vector<1x16xf32>,
    %get3A_859 = vector.shape_cast %get3A_858 : vector<1x16xf32> to vector<16xf32>
    %add3A_860 = arith.addf %add3A_854, %get3A_859 : vector<16xf32>
    %get3A_861 = arith.constant 9 : i32
    %get3A_862 = arith.index_cast %get3A_861 : i32 to index
    %get3A_863 = arith.constant 64 : index
    %get3A_864 = tpu.vector_load %arg4[%get3A_862, %get3A_863] {strides = array<i32>} : memref<32x128xf32, #tpu.memory_space<vmem>>, vector<1x16xf32>,
    %get3A_865 = vector.shape_cast %get3A_864 : vector<1x16xf32> to vector<16xf32>
    %add3A_866 = arith.addf %add3A_860, %get3A_865 : vector<16xf32>
    %get3A_867 = arith.constant 10 : i32
    %get3A_868 = arith.index_cast %get3A_867 : i32 to index
    %get3A_869 = arith.constant 64 : index
    %get3A_870 = tpu.vector_load %arg4[%get3A_868, %get3A_869] {strides = array<i32>} : memref<32x128xf32, #tpu.memory_space<vmem>>, vector<1x16xf32>,
    %get3A_871 = vector.shape_cast %get3A_870 : vector<1x16xf32> to vector<16xf32>
    %add3A_872 = arith.addf %add3A_866, %get3A_871 : vector<16xf32>
    %get3A_873 = arith.constant 11 : i32
    %get3A_874 = arith.index_cast %get3A_873 : i32 to index
    %get3A_875 = arith.constant 64 : index
    %get3A_876 = tpu.vector_load %arg4[%get3A_874, %get3A_875] {strides = array<i32>} : memref<32x128xf32, #tpu.memory_space<vmem>>, vector<1x16xf32>,
    %get3A_877 = vector.shape_cast %get3A_876 : vector<1x16xf32> to vector<16xf32>
    %add3A_878 = arith.addf %add3A_872, %get3A_877 : vector<16xf32>
    %get3A_879 = arith.constant 12 : i32
    %get3A_880 = arith.index_cast %get3A_879 : i32 to index
    %get3A_881 = arith.constant 64 : index
    %get3A_882 = tpu.vector_load %arg4[%get3A_880, %get3A_881] {strides = array<i32>} : memref<32x128xf32, #tpu.memory_space<vmem>>, vector<1x16xf32>,
    %get3A_883 = vector.shape_cast %get3A_882 : vector<1x16xf32> to vector<16xf32>
    %add3A_884 = arith.addf %add3A_878, %get3A_883 : vector<16xf32>
    %get3A_885 = arith.constant 13 : i32
    %get3A_886 = arith.index_cast %get3A_885 : i32 to index
    %get3A_887 = arith.constant 64 : index
    %get3A_888 = tpu.vector_load %arg4[%get3A_886, %get3A_887] {strides = array<i32>} : memref<32x128xf32, #tpu.memory_space<vmem>>, vector<1x16xf32>,
    %get3A_889 = vector.shape_cast %get3A_888 : vector<1x16xf32> to vector<16xf32>
    %add3A_890 = arith.addf %add3A_884, %get3A_889 : vector<16xf32>
    %get3A_891 = arith.constant 14 : i32
    %get3A_892 = arith.index_cast %get3A_891 : i32 to index
    %get3A_893 = arith.constant 64 : index
    %get3A_894 = tpu.vector_load %arg4[%get3A_892, %get3A_893] {strides = array<i32>} : memref<32x128xf32, #tpu.memory_space<vmem>>, vector<1x16xf32>,
    %get3A_895 = vector.shape_cast %get3A_894 : vector<1x16xf32> to vector<16xf32>
    %add3A_896 = arith.addf %add3A_890, %get3A_895 : vector<16xf32>
    %get3A_897 = arith.constant 15 : i32
    %get3A_898 = arith.index_cast %get3A_897 : i32 to index
    %get3A_899 = arith.constant 64 : index
    %get3A_900 = tpu.vector_load %arg4[%get3A_898, %get3A_899] {strides = array<i32>} : memref<32x128xf32, #tpu.memory_space<vmem>>, vector<1x16xf32>,
    %get3A_901 = vector.shape_cast %get3A_900 : vector<1x16xf32> to vector<16xf32>
    %add3A_902 = arith.addf %add3A_896, %get3A_901 : vector<16xf32>
    %get3A_903 = arith.constant 16 : i32
    %get3A_904 = arith.index_cast %get3A_903 : i32 to index
    %get3A_905 = arith.constant 64 : index
    %get3A_906 = tpu.vector_load %arg4[%get3A_904, %get3A_905] {strides = array<i32>} : memref<32x128xf32, #tpu.memory_space<vmem>>, vector<1x16xf32>,
    %get3A_907 = vector.shape_cast %get3A_906 : vector<1x16xf32> to vector<16xf32>
    %add3A_908 = arith.addf %add3A_902, %get3A_907 : vector<16xf32>
    %get3A_909 = arith.constant 17 : i32
    %get3A_910 = arith.index_cast %get3A_909 : i32 to index
    %get3A_911 = arith.constant 64 : index
    %get3A_912 = tpu.vector_load %arg4[%get3A_910, %get3A_911] {strides = array<i32>} : memref<32x128xf32, #tpu.memory_space<vmem>>, vector<1x16xf32>,
    %get3A_913 = vector.shape_cast %get3A_912 : vector<1x16xf32> to vector<16xf32>
    %add3A_914 = arith.addf %add3A_908, %get3A_913 : vector<16xf32>
    %get3A_915 = arith.constant 18 : i32
    %get3A_916 = arith.index_cast %get3A_915 : i32 to index
    %get3A_917 = arith.constant 64 : index
    %get3A_918 = tpu.vector_load %arg4[%get3A_916, %get3A_917] {strides = array<i32>} : memref<32x128xf32, #tpu.memory_space<vmem>>, vector<1x16xf32>,
    %get3A_919 = vector.shape_cast %get3A_918 : vector<1x16xf32> to vector<16xf32>
    %add3A_920 = arith.addf %add3A_914, %get3A_919 : vector<16xf32>
    %get3A_921 = arith.constant 19 : i32
    %get3A_922 = arith.index_cast %get3A_921 : i32 to index
    %get3A_923 = arith.constant 64 : index
    %get3A_924 = tpu.vector_load %arg4[%get3A_922, %get3A_923] {strides = array<i32>} : memref<32x128xf32, #tpu.memory_space<vmem>>, vector<1x16xf32>,
    %get3A_925 = vector.shape_cast %get3A_924 : vector<1x16xf32> to vector<16xf32>
    %add3A_926 = arith.addf %add3A_920, %get3A_925 : vector<16xf32>
    %get3A_927 = arith.constant 20 : i32
    %get3A_928 = arith.index_cast %get3A_927 : i32 to index
    %get3A_929 = arith.constant 64 : index
    %get3A_930 = tpu.vector_load %arg4[%get3A_928, %get3A_929] {strides = array<i32>} : memref<32x128xf32, #tpu.memory_space<vmem>>, vector<1x16xf32>,
    %get3A_931 = vector.shape_cast %get3A_930 : vector<1x16xf32> to vector<16xf32>
    %add3A_932 = arith.addf %add3A_926, %get3A_931 : vector<16xf32>
    %get3A_933 = arith.constant 21 : i32
    %get3A_934 = arith.index_cast %get3A_933 : i32 to index
    %get3A_935 = arith.constant 64 : index
    %get3A_936 = tpu.vector_load %arg4[%get3A_934, %get3A_935] {strides = array<i32>} : memref<32x128xf32, #tpu.memory_space<vmem>>, vector<1x16xf32>,
    %get3A_937 = vector.shape_cast %get3A_936 : vector<1x16xf32> to vector<16xf32>
    %add3A_938 = arith.addf %add3A_932, %get3A_937 : vector<16xf32>
    %get3A_939 = arith.constant 22 : i32
    %get3A_940 = arith.index_cast %get3A_939 : i32 to index
    %get3A_941 = arith.constant 64 : index
    %get3A_942 = tpu.vector_load %arg4[%get3A_940, %get3A_941] {strides = array<i32>} : memref<32x128xf32, #tpu.memory_space<vmem>>, vector<1x16xf32>,
    %get3A_943 = vector.shape_cast %get3A_942 : vector<1x16xf32> to vector<16xf32>
    %add3A_944 = arith.addf %add3A_938, %get3A_943 : vector<16xf32>
    %get3A_945 = arith.constant 23 : i32
    %get3A_946 = arith.index_cast %get3A_945 : i32 to index
    %get3A_947 = arith.constant 64 : index
    %get3A_948 = tpu.vector_load %arg4[%get3A_946, %get3A_947] {strides = array<i32>} : memref<32x128xf32, #tpu.memory_space<vmem>>, vector<1x16xf32>,
    %get3A_949 = vector.shape_cast %get3A_948 : vector<1x16xf32> to vector<16xf32>
    %add3A_950 = arith.addf %add3A_944, %get3A_949 : vector<16xf32>
    %get3A_951 = arith.constant 24 : i32
    %get3A_952 = arith.index_cast %get3A_951 : i32 to index
    %get3A_953 = arith.constant 64 : index
    %get3A_954 = tpu.vector_load %arg4[%get3A_952, %get3A_953] {strides = array<i32>} : memref<32x128xf32, #tpu.memory_space<vmem>>, vector<1x16xf32>,
    %get3A_955 = vector.shape_cast %get3A_954 : vector<1x16xf32> to vector<16xf32>
    %add3A_956 = arith.addf %add3A_950, %get3A_955 : vector<16xf32>
    %get3A_957 = arith.constant 25 : i32
    %get3A_958 = arith.index_cast %get3A_957 : i32 to index
    %get3A_959 = arith.constant 64 : index
    %get3A_960 = tpu.vector_load %arg4[%get3A_958, %get3A_959] {strides = array<i32>} : memref<32x128xf32, #tpu.memory_space<vmem>>, vector<1x16xf32>,
    %get3A_961 = vector.shape_cast %get3A_960 : vector<1x16xf32> to vector<16xf32>
    %add3A_962 = arith.addf %add3A_956, %get3A_961 : vector<16xf32>
    %get3A_963 = arith.constant 26 : i32
    %get3A_964 = arith.index_cast %get3A_963 : i32 to index
    %get3A_965 = arith.constant 64 : index
    %get3A_966 = tpu.vector_load %arg4[%get3A_964, %get3A_965] {strides = array<i32>} : memref<32x128xf32, #tpu.memory_space<vmem>>, vector<1x16xf32>,
    %get3A_967 = vector.shape_cast %get3A_966 : vector<1x16xf32> to vector<16xf32>
    %add3A_968 = arith.addf %add3A_962, %get3A_967 : vector<16xf32>
    %get3A_969 = arith.constant 27 : i32
    %get3A_970 = arith.index_cast %get3A_969 : i32 to index
    %get3A_971 = arith.constant 64 : index
    %get3A_972 = tpu.vector_load %arg4[%get3A_970, %get3A_971] {strides = array<i32>} : memref<32x128xf32, #tpu.memory_space<vmem>>, vector<1x16xf32>,
    %get3A_973 = vector.shape_cast %get3A_972 : vector<1x16xf32> to vector<16xf32>
    %add3A_974 = arith.addf %add3A_968, %get3A_973 : vector<16xf32>
    %get3A_975 = arith.constant 28 : i32
    %get3A_976 = arith.index_cast %get3A_975 : i32 to index
    %get3A_977 = arith.constant 64 : index
    %get3A_978 = tpu.vector_load %arg4[%get3A_976, %get3A_977] {strides = array<i32>} : memref<32x128xf32, #tpu.memory_space<vmem>>, vector<1x16xf32>,
    %get3A_979 = vector.shape_cast %get3A_978 : vector<1x16xf32> to vector<16xf32>
    %add3A_980 = arith.addf %add3A_974, %get3A_979 : vector<16xf32>
    %get3A_981 = arith.constant 29 : i32
    %get3A_982 = arith.index_cast %get3A_981 : i32 to index
    %get3A_983 = arith.constant 64 : index
    %get3A_984 = tpu.vector_load %arg4[%get3A_982, %get3A_983] {strides = array<i32>} : memref<32x128xf32, #tpu.memory_space<vmem>>, vector<1x16xf32>,
    %get3A_985 = vector.shape_cast %get3A_984 : vector<1x16xf32> to vector<16xf32>
    %add3A_986 = arith.addf %add3A_980, %get3A_985 : vector<16xf32>
    %get3A_987 = arith.constant 30 : i32
    %get3A_988 = arith.index_cast %get3A_987 : i32 to index
    %get3A_989 = arith.constant 64 : index
    %get3A_990 = tpu.vector_load %arg4[%get3A_988, %get3A_989] {strides = array<i32>} : memref<32x128xf32, #tpu.memory_space<vmem>>, vector<1x16xf32>,
    %get3A_991 = vector.shape_cast %get3A_990 : vector<1x16xf32> to vector<16xf32>
    %add3A_992 = arith.addf %add3A_986, %get3A_991 : vector<16xf32>
    %get3A_993 = arith.constant 31 : i32
    %get3A_994 = arith.index_cast %get3A_993 : i32 to index
    %get3A_995 = arith.constant 64 : index
    %get3A_996 = tpu.vector_load %arg4[%get3A_994, %get3A_995] {strides = array<i32>} : memref<32x128xf32, #tpu.memory_space<vmem>>, vector<1x16xf32>,
    %get3A_997 = vector.shape_cast %get3A_996 : vector<1x16xf32> to vector<16xf32>
    %add3A_998 = arith.addf %add3A_992, %get3A_997 : vector<16xf32>
    %mul3A_999 = arith.constant 3.125000e-02 : f32
    %mul3A_1000 = vector.broadcast %mul3A_999 : f32 to vector<16xf32>
    %mul3A_1001 = arith.mulf %add3A_998, %mul3A_1000 : vector<16xf32>
    %get3A_1002 = arith.constant 0 : i32
    %get3A_1003 = arith.index_cast %get3A_1002 : i32 to index
    %get3A_1004 = arith.constant 80 : index
    %get3A_1005 = tpu.vector_load %arg4[%get3A_1003, %get3A_1004] {strides = array<i32>} : memref<32x128xf32, #tpu.memory_space<vmem>>, vector<1x16xf32>,
    %get3A_1006 = vector.shape_cast %get3A_1005 : vector<1x16xf32> to vector<16xf32>
    %get3A_1007 = arith.constant 1 : i32
    %get3A_1008 = arith.index_cast %get3A_1007 : i32 to index
    %get3A_1009 = arith.constant 80 : index
    %get3A_1010 = tpu.vector_load %arg4[%get3A_1008, %get3A_1009] {strides = array<i32>} : memref<32x128xf32, #tpu.memory_space<vmem>>, vector<1x16xf32>,
    %get3A_1011 = vector.shape_cast %get3A_1010 : vector<1x16xf32> to vector<16xf32>
    %add3A_1012 = arith.addf %get3A_1006, %get3A_1011 : vector<16xf32>
    %get3A_1013 = arith.constant 2 : i32
    %get3A_1014 = arith.index_cast %get3A_1013 : i32 to index
    %get3A_1015 = arith.constant 80 : index
    %get3A_1016 = tpu.vector_load %arg4[%get3A_1014, %get3A_1015] {strides = array<i32>} : memref<32x128xf32, #tpu.memory_space<vmem>>, vector<1x16xf32>,
    %get3A_1017 = vector.shape_cast %get3A_1016 : vector<1x16xf32> to vector<16xf32>
    %add3A_1018 = arith.addf %add3A_1012, %get3A_1017 : vector<16xf32>
    %get3A_1019 = arith.constant 3 : i32
    %get3A_1020 = arith.index_cast %get3A_1019 : i32 to index
    %get3A_1021 = arith.constant 80 : index
    %get3A_1022 = tpu.vector_load %arg4[%get3A_1020, %get3A_1021] {strides = array<i32>} : memref<32x128xf32, #tpu.memory_space<vmem>>, vector<1x16xf32>,
    %get3A_1023 = vector.shape_cast %get3A_1022 : vector<1x16xf32> to vector<16xf32>
    %add3A_1024 = arith.addf %add3A_1018, %get3A_1023 : vector<16xf32>
    %get3A_1025 = arith.constant 4 : i32
    %get3A_1026 = arith.index_cast %get3A_1025 : i32 to index
    %get3A_1027 = arith.constant 80 : index
    %get3A_1028 = tpu.vector_load %arg4[%get3A_1026, %get3A_1027] {strides = array<i32>} : memref<32x128xf32, #tpu.memory_space<vmem>>, vector<1x16xf32>,
    %get3A_1029 = vector.shape_cast %get3A_1028 : vector<1x16xf32> to vector<16xf32>
    %add3A_1030 = arith.addf %add3A_1024, %get3A_1029 : vector<16xf32>
    %get3A_1031 = arith.constant 5 : i32
    %get3A_1032 = arith.index_cast %get3A_1031 : i32 to index
    %get3A_1033 = arith.constant 80 : index
    %get3A_1034 = tpu.vector_load %arg4[%get3A_1032, %get3A_1033] {strides = array<i32>} : memref<32x128xf32, #tpu.memory_space<vmem>>, vector<1x16xf32>,
    %get3A_1035 = vector.shape_cast %get3A_1034 : vector<1x16xf32> to vector<16xf32>
    %add3A_1036 = arith.addf %add3A_1030, %get3A_1035 : vector<16xf32>
    %get3A_1037 = arith.constant 6 : i32
    %get3A_1038 = arith.index_cast %get3A_1037 : i32 to index
    %get3A_1039 = arith.constant 80 : index
    %get3A_1040 = tpu.vector_load %arg4[%get3A_1038, %get3A_1039] {strides = array<i32>} : memref<32x128xf32, #tpu.memory_space<vmem>>, vector<1x16xf32>,
    %get3A_1041 = vector.shape_cast %get3A_1040 : vector<1x16xf32> to vector<16xf32>
    %add3A_1042 = arith.addf %add3A_1036, %get3A_1041 : vector<16xf32>
    %get3A_1043 = arith.constant 7 : i32
    %get3A_1044 = arith.index_cast %get3A_1043 : i32 to index
    %get3A_1045 = arith.constant 80 : index
    %get3A_1046 = tpu.vector_load %arg4[%get3A_1044, %get3A_1045] {strides = array<i32>} : memref<32x128xf32, #tpu.memory_space<vmem>>, vector<1x16xf32>,
    %get3A_1047 = vector.shape_cast %get3A_1046 : vector<1x16xf32> to vector<16xf32>
    %add3A_1048 = arith.addf %add3A_1042, %get3A_1047 : vector<16xf32>
    %get3A_1049 = arith.constant 8 : i32
    %get3A_1050 = arith.index_cast %get3A_1049 : i32 to index
    %get3A_1051 = arith.constant 80 : index
    %get3A_1052 = tpu.vector_load %arg4[%get3A_1050, %get3A_1051] {strides = array<i32>} : memref<32x128xf32, #tpu.memory_space<vmem>>, vector<1x16xf32>,
    %get3A_1053 = vector.shape_cast %get3A_1052 : vector<1x16xf32> to vector<16xf32>
    %add3A_1054 = arith.addf %add3A_1048, %get3A_1053 : vector<16xf32>
    %get3A_1055 = arith.constant 9 : i32
    %get3A_1056 = arith.index_cast %get3A_1055 : i32 to index
    %get3A_1057 = arith.constant 80 : index
    %get3A_1058 = tpu.vector_load %arg4[%get3A_1056, %get3A_1057] {strides = array<i32>} : memref<32x128xf32, #tpu.memory_space<vmem>>, vector<1x16xf32>,
    %get3A_1059 = vector.shape_cast %get3A_1058 : vector<1x16xf32> to vector<16xf32>
    %add3A_1060 = arith.addf %add3A_1054, %get3A_1059 : vector<16xf32>
    %get3A_1061 = arith.constant 10 : i32
    %get3A_1062 = arith.index_cast %get3A_1061 : i32 to index
    %get3A_1063 = arith.constant 80 : index
    %get3A_1064 = tpu.vector_load %arg4[%get3A_1062, %get3A_1063] {strides = array<i32>} : memref<32x128xf32, #tpu.memory_space<vmem>>, vector<1x16xf32>,
    %get3A_1065 = vector.shape_cast %get3A_1064 : vector<1x16xf32> to vector<16xf32>
    %add3A_1066 = arith.addf %add3A_1060, %get3A_1065 : vector<16xf32>
    %get3A_1067 = arith.constant 11 : i32
    %get3A_1068 = arith.index_cast %get3A_1067 : i32 to index
    %get3A_1069 = arith.constant 80 : index
    %get3A_1070 = tpu.vector_load %arg4[%get3A_1068, %get3A_1069] {strides = array<i32>} : memref<32x128xf32, #tpu.memory_space<vmem>>, vector<1x16xf32>,
    %get3A_1071 = vector.shape_cast %get3A_1070 : vector<1x16xf32> to vector<16xf32>
    %add3A_1072 = arith.addf %add3A_1066, %get3A_1071 : vector<16xf32>
    %get3A_1073 = arith.constant 12 : i32
    %get3A_1074 = arith.index_cast %get3A_1073 : i32 to index
    %get3A_1075 = arith.constant 80 : index
    %get3A_1076 = tpu.vector_load %arg4[%get3A_1074, %get3A_1075] {strides = array<i32>} : memref<32x128xf32, #tpu.memory_space<vmem>>, vector<1x16xf32>,
    %get3A_1077 = vector.shape_cast %get3A_1076 : vector<1x16xf32> to vector<16xf32>
    %add3A_1078 = arith.addf %add3A_1072, %get3A_1077 : vector<16xf32>
    %get3A_1079 = arith.constant 13 : i32
    %get3A_1080 = arith.index_cast %get3A_1079 : i32 to index
    %get3A_1081 = arith.constant 80 : index
    %get3A_1082 = tpu.vector_load %arg4[%get3A_1080, %get3A_1081] {strides = array<i32>} : memref<32x128xf32, #tpu.memory_space<vmem>>, vector<1x16xf32>,
    %get3A_1083 = vector.shape_cast %get3A_1082 : vector<1x16xf32> to vector<16xf32>
    %add3A_1084 = arith.addf %add3A_1078, %get3A_1083 : vector<16xf32>
    %get3A_1085 = arith.constant 14 : i32
    %get3A_1086 = arith.index_cast %get3A_1085 : i32 to index
    %get3A_1087 = arith.constant 80 : index
    %get3A_1088 = tpu.vector_load %arg4[%get3A_1086, %get3A_1087] {strides = array<i32>} : memref<32x128xf32, #tpu.memory_space<vmem>>, vector<1x16xf32>,
    %get3A_1089 = vector.shape_cast %get3A_1088 : vector<1x16xf32> to vector<16xf32>
    %add3A_1090 = arith.addf %add3A_1084, %get3A_1089 : vector<16xf32>
    %get3A_1091 = arith.constant 15 : i32
    %get3A_1092 = arith.index_cast %get3A_1091 : i32 to index
    %get3A_1093 = arith.constant 80 : index
    %get3A_1094 = tpu.vector_load %arg4[%get3A_1092, %get3A_1093] {strides = array<i32>} : memref<32x128xf32, #tpu.memory_space<vmem>>, vector<1x16xf32>,
    %get3A_1095 = vector.shape_cast %get3A_1094 : vector<1x16xf32> to vector<16xf32>
    %add3A_1096 = arith.addf %add3A_1090, %get3A_1095 : vector<16xf32>
    %get3A_1097 = arith.constant 16 : i32
    %get3A_1098 = arith.index_cast %get3A_1097 : i32 to index
    %get3A_1099 = arith.constant 80 : index
    %get3A_1100 = tpu.vector_load %arg4[%get3A_1098, %get3A_1099] {strides = array<i32>} : memref<32x128xf32, #tpu.memory_space<vmem>>, vector<1x16xf32>,
    %get3A_1101 = vector.shape_cast %get3A_1100 : vector<1x16xf32> to vector<16xf32>
    %add3A_1102 = arith.addf %add3A_1096, %get3A_1101 : vector<16xf32>
    %get3A_1103 = arith.constant 17 : i32
    %get3A_1104 = arith.index_cast %get3A_1103 : i32 to index
    %get3A_1105 = arith.constant 80 : index
    %get3A_1106 = tpu.vector_load %arg4[%get3A_1104, %get3A_1105] {strides = array<i32>} : memref<32x128xf32, #tpu.memory_space<vmem>>, vector<1x16xf32>,
    %get3A_1107 = vector.shape_cast %get3A_1106 : vector<1x16xf32> to vector<16xf32>
    %add3A_1108 = arith.addf %add3A_1102, %get3A_1107 : vector<16xf32>
    %get3A_1109 = arith.constant 18 : i32
    %get3A_1110 = arith.index_cast %get3A_1109 : i32 to index
    %get3A_1111 = arith.constant 80 : index
    %get3A_1112 = tpu.vector_load %arg4[%get3A_1110, %get3A_1111] {strides = array<i32>} : memref<32x128xf32, #tpu.memory_space<vmem>>, vector<1x16xf32>,
    %get3A_1113 = vector.shape_cast %get3A_1112 : vector<1x16xf32> to vector<16xf32>
    %add3A_1114 = arith.addf %add3A_1108, %get3A_1113 : vector<16xf32>
    %get3A_1115 = arith.constant 19 : i32
    %get3A_1116 = arith.index_cast %get3A_1115 : i32 to index
    %get3A_1117 = arith.constant 80 : index
    %get3A_1118 = tpu.vector_load %arg4[%get3A_1116, %get3A_1117] {strides = array<i32>} : memref<32x128xf32, #tpu.memory_space<vmem>>, vector<1x16xf32>,
    %get3A_1119 = vector.shape_cast %get3A_1118 : vector<1x16xf32> to vector<16xf32>
    %add3A_1120 = arith.addf %add3A_1114, %get3A_1119 : vector<16xf32>
    %get3A_1121 = arith.constant 20 : i32
    %get3A_1122 = arith.index_cast %get3A_1121 : i32 to index
    %get3A_1123 = arith.constant 80 : index
    %get3A_1124 = tpu.vector_load %arg4[%get3A_1122, %get3A_1123] {strides = array<i32>} : memref<32x128xf32, #tpu.memory_space<vmem>>, vector<1x16xf32>,
    %get3A_1125 = vector.shape_cast %get3A_1124 : vector<1x16xf32> to vector<16xf32>
    %add3A_1126 = arith.addf %add3A_1120, %get3A_1125 : vector<16xf32>
    %get3A_1127 = arith.constant 21 : i32
    %get3A_1128 = arith.index_cast %get3A_1127 : i32 to index
    %get3A_1129 = arith.constant 80 : index
    %get3A_1130 = tpu.vector_load %arg4[%get3A_1128, %get3A_1129] {strides = array<i32>} : memref<32x128xf32, #tpu.memory_space<vmem>>, vector<1x16xf32>,
    %get3A_1131 = vector.shape_cast %get3A_1130 : vector<1x16xf32> to vector<16xf32>
    %add3A_1132 = arith.addf %add3A_1126, %get3A_1131 : vector<16xf32>
    %get3A_1133 = arith.constant 22 : i32
    %get3A_1134 = arith.index_cast %get3A_1133 : i32 to index
    %get3A_1135 = arith.constant 80 : index
    %get3A_1136 = tpu.vector_load %arg4[%get3A_1134, %get3A_1135] {strides = array<i32>} : memref<32x128xf32, #tpu.memory_space<vmem>>, vector<1x16xf32>,
    %get3A_1137 = vector.shape_cast %get3A_1136 : vector<1x16xf32> to vector<16xf32>
    %add3A_1138 = arith.addf %add3A_1132, %get3A_1137 : vector<16xf32>
    %get3A_1139 = arith.constant 23 : i32
    %get3A_1140 = arith.index_cast %get3A_1139 : i32 to index
    %get3A_1141 = arith.constant 80 : index
    %get3A_1142 = tpu.vector_load %arg4[%get3A_1140, %get3A_1141] {strides = array<i32>} : memref<32x128xf32, #tpu.memory_space<vmem>>, vector<1x16xf32>,
    %get3A_1143 = vector.shape_cast %get3A_1142 : vector<1x16xf32> to vector<16xf32>
    %add3A_1144 = arith.addf %add3A_1138, %get3A_1143 : vector<16xf32>
    %get3A_1145 = arith.constant 24 : i32
    %get3A_1146 = arith.index_cast %get3A_1145 : i32 to index
    %get3A_1147 = arith.constant 80 : index
    %get3A_1148 = tpu.vector_load %arg4[%get3A_1146, %get3A_1147] {strides = array<i32>} : memref<32x128xf32, #tpu.memory_space<vmem>>, vector<1x16xf32>,
    %get3A_1149 = vector.shape_cast %get3A_1148 : vector<1x16xf32> to vector<16xf32>
    %add3A_1150 = arith.addf %add3A_1144, %get3A_1149 : vector<16xf32>
    %get3A_1151 = arith.constant 25 : i32
    %get3A_1152 = arith.index_cast %get3A_1151 : i32 to index
    %get3A_1153 = arith.constant 80 : index
    %get3A_1154 = tpu.vector_load %arg4[%get3A_1152, %get3A_1153] {strides = array<i32>} : memref<32x128xf32, #tpu.memory_space<vmem>>, vector<1x16xf32>,
    %get3A_1155 = vector.shape_cast %get3A_1154 : vector<1x16xf32> to vector<16xf32>
    %add3A_1156 = arith.addf %add3A_1150, %get3A_1155 : vector<16xf32>
    %get3A_1157 = arith.constant 26 : i32
    %get3A_1158 = arith.index_cast %get3A_1157 : i32 to index
    %get3A_1159 = arith.constant 80 : index
    %get3A_1160 = tpu.vector_load %arg4[%get3A_1158, %get3A_1159] {strides = array<i32>} : memref<32x128xf32, #tpu.memory_space<vmem>>, vector<1x16xf32>,
    %get3A_1161 = vector.shape_cast %get3A_1160 : vector<1x16xf32> to vector<16xf32>
    %add3A_1162 = arith.addf %add3A_1156, %get3A_1161 : vector<16xf32>
    %get3A_1163 = arith.constant 27 : i32
    %get3A_1164 = arith.index_cast %get3A_1163 : i32 to index
    %get3A_1165 = arith.constant 80 : index
    %get3A_1166 = tpu.vector_load %arg4[%get3A_1164, %get3A_1165] {strides = array<i32>} : memref<32x128xf32, #tpu.memory_space<vmem>>, vector<1x16xf32>,
    %get3A_1167 = vector.shape_cast %get3A_1166 : vector<1x16xf32> to vector<16xf32>
    %add3A_1168 = arith.addf %add3A_1162, %get3A_1167 : vector<16xf32>
    %get3A_1169 = arith.constant 28 : i32
    %get3A_1170 = arith.index_cast %get3A_1169 : i32 to index
    %get3A_1171 = arith.constant 80 : index
    %get3A_1172 = tpu.vector_load %arg4[%get3A_1170, %get3A_1171] {strides = array<i32>} : memref<32x128xf32, #tpu.memory_space<vmem>>, vector<1x16xf32>,
    %get3A_1173 = vector.shape_cast %get3A_1172 : vector<1x16xf32> to vector<16xf32>
    %add3A_1174 = arith.addf %add3A_1168, %get3A_1173 : vector<16xf32>
    %get3A_1175 = arith.constant 29 : i32
    %get3A_1176 = arith.index_cast %get3A_1175 : i32 to index
    %get3A_1177 = arith.constant 80 : index
    %get3A_1178 = tpu.vector_load %arg4[%get3A_1176, %get3A_1177] {strides = array<i32>} : memref<32x128xf32, #tpu.memory_space<vmem>>, vector<1x16xf32>,
    %get3A_1179 = vector.shape_cast %get3A_1178 : vector<1x16xf32> to vector<16xf32>
    %add3A_1180 = arith.addf %add3A_1174, %get3A_1179 : vector<16xf32>
    %get3A_1181 = arith.constant 30 : i32
    %get3A_1182 = arith.index_cast %get3A_1181 : i32 to index
    %get3A_1183 = arith.constant 80 : index
    %get3A_1184 = tpu.vector_load %arg4[%get3A_1182, %get3A_1183] {strides = array<i32>} : memref<32x128xf32, #tpu.memory_space<vmem>>, vector<1x16xf32>,
    %get3A_1185 = vector.shape_cast %get3A_1184 : vector<1x16xf32> to vector<16xf32>
    %add3A_1186 = arith.addf %add3A_1180, %get3A_1185 : vector<16xf32>
    %get3A_1187 = arith.constant 31 : i32
    %get3A_1188 = arith.index_cast %get3A_1187 : i32 to index
    %get3A_1189 = arith.constant 80 : index
    %get3A_1190 = tpu.vector_load %arg4[%get3A_1188, %get3A_1189] {strides = array<i32>} : memref<32x128xf32, #tpu.memory_space<vmem>>, vector<1x16xf32>,
    %get3A_1191 = vector.shape_cast %get3A_1190 : vector<1x16xf32> to vector<16xf32>
    %add3A_1192 = arith.addf %add3A_1186, %get3A_1191 : vector<16xf32>
    %mul3A_1193 = arith.constant 3.125000e-02 : f32
    %mul3A_1194 = vector.broadcast %mul3A_1193 : f32 to vector<16xf32>
    %mul3A_1195 = arith.mulf %add3A_1192, %mul3A_1194 : vector<16xf32>
    %get3A_1196 = arith.constant 0 : i32
    %get3A_1197 = arith.index_cast %get3A_1196 : i32 to index
    %get3A_1198 = arith.constant 96 : index
    %get3A_1199 = tpu.vector_load %arg4[%get3A_1197, %get3A_1198] {strides = array<i32>} : memref<32x128xf32, #tpu.memory_space<vmem>>, vector<1x16xf32>,
    %get3A_1200 = vector.shape_cast %get3A_1199 : vector<1x16xf32> to vector<16xf32>
    %get3A_1201 = arith.constant 1 : i32
    %get3A_1202 = arith.index_cast %get3A_1201 : i32 to index
    %get3A_1203 = arith.constant 96 : index
    %get3A_1204 = tpu.vector_load %arg4[%get3A_1202, %get3A_1203] {strides = array<i32>} : memref<32x128xf32, #tpu.memory_space<vmem>>, vector<1x16xf32>,
    %get3A_1205 = vector.shape_cast %get3A_1204 : vector<1x16xf32> to vector<16xf32>
    %add3A_1206 = arith.addf %get3A_1200, %get3A_1205 : vector<16xf32>
    %get3A_1207 = arith.constant 2 : i32
    %get3A_1208 = arith.index_cast %get3A_1207 : i32 to index
    %get3A_1209 = arith.constant 96 : index
    %get3A_1210 = tpu.vector_load %arg4[%get3A_1208, %get3A_1209] {strides = array<i32>} : memref<32x128xf32, #tpu.memory_space<vmem>>, vector<1x16xf32>,
    %get3A_1211 = vector.shape_cast %get3A_1210 : vector<1x16xf32> to vector<16xf32>
    %add3A_1212 = arith.addf %add3A_1206, %get3A_1211 : vector<16xf32>
    %get3A_1213 = arith.constant 3 : i32
    %get3A_1214 = arith.index_cast %get3A_1213 : i32 to index
    %get3A_1215 = arith.constant 96 : index
    %get3A_1216 = tpu.vector_load %arg4[%get3A_1214, %get3A_1215] {strides = array<i32>} : memref<32x128xf32, #tpu.memory_space<vmem>>, vector<1x16xf32>,
    %get3A_1217 = vector.shape_cast %get3A_1216 : vector<1x16xf32> to vector<16xf32>
    %add3A_1218 = arith.addf %add3A_1212, %get3A_1217 : vector<16xf32>
    %get3A_1219 = arith.constant 4 : i32
    %get3A_1220 = arith.index_cast %get3A_1219 : i32 to index
    %get3A_1221 = arith.constant 96 : index
    %get3A_1222 = tpu.vector_load %arg4[%get3A_1220, %get3A_1221] {strides = array<i32>} : memref<32x128xf32, #tpu.memory_space<vmem>>, vector<1x16xf32>,
    %get3A_1223 = vector.shape_cast %get3A_1222 : vector<1x16xf32> to vector<16xf32>
    %add3A_1224 = arith.addf %add3A_1218, %get3A_1223 : vector<16xf32>
    %get3A_1225 = arith.constant 5 : i32
    %get3A_1226 = arith.index_cast %get3A_1225 : i32 to index
    %get3A_1227 = arith.constant 96 : index
    %get3A_1228 = tpu.vector_load %arg4[%get3A_1226, %get3A_1227] {strides = array<i32>} : memref<32x128xf32, #tpu.memory_space<vmem>>, vector<1x16xf32>,
    %get3A_1229 = vector.shape_cast %get3A_1228 : vector<1x16xf32> to vector<16xf32>
    %add3A_1230 = arith.addf %add3A_1224, %get3A_1229 : vector<16xf32>
    %get3A_1231 = arith.constant 6 : i32
    %get3A_1232 = arith.index_cast %get3A_1231 : i32 to index
    %get3A_1233 = arith.constant 96 : index
    %get3A_1234 = tpu.vector_load %arg4[%get3A_1232, %get3A_1233] {strides = array<i32>} : memref<32x128xf32, #tpu.memory_space<vmem>>, vector<1x16xf32>,
    %get3A_1235 = vector.shape_cast %get3A_1234 : vector<1x16xf32> to vector<16xf32>
    %add3A_1236 = arith.addf %add3A_1230, %get3A_1235 : vector<16xf32>
    %get3A_1237 = arith.constant 7 : i32
    %get3A_1238 = arith.index_cast %get3A_1237 : i32 to index
    %get3A_1239 = arith.constant 96 : index
    %get3A_1240 = tpu.vector_load %arg4[%get3A_1238, %get3A_1239] {strides = array<i32>} : memref<32x128xf32, #tpu.memory_space<vmem>>, vector<1x16xf32>,
    %get3A_1241 = vector.shape_cast %get3A_1240 : vector<1x16xf32> to vector<16xf32>
    %add3A_1242 = arith.addf %add3A_1236, %get3A_1241 : vector<16xf32>
    %get3A_1243 = arith.constant 8 : i32
    %get3A_1244 = arith.index_cast %get3A_1243 : i32 to index
    %get3A_1245 = arith.constant 96 : index
    %get3A_1246 = tpu.vector_load %arg4[%get3A_1244, %get3A_1245] {strides = array<i32>} : memref<32x128xf32, #tpu.memory_space<vmem>>, vector<1x16xf32>,
    %get3A_1247 = vector.shape_cast %get3A_1246 : vector<1x16xf32> to vector<16xf32>
    %add3A_1248 = arith.addf %add3A_1242, %get3A_1247 : vector<16xf32>
    %get3A_1249 = arith.constant 9 : i32
    %get3A_1250 = arith.index_cast %get3A_1249 : i32 to index
    %get3A_1251 = arith.constant 96 : index
    %get3A_1252 = tpu.vector_load %arg4[%get3A_1250, %get3A_1251] {strides = array<i32>} : memref<32x128xf32, #tpu.memory_space<vmem>>, vector<1x16xf32>,
    %get3A_1253 = vector.shape_cast %get3A_1252 : vector<1x16xf32> to vector<16xf32>
    %add3A_1254 = arith.addf %add3A_1248, %get3A_1253 : vector<16xf32>
    %get3A_1255 = arith.constant 10 : i32
    %get3A_1256 = arith.index_cast %get3A_1255 : i32 to index
    %get3A_1257 = arith.constant 96 : index
    %get3A_1258 = tpu.vector_load %arg4[%get3A_1256, %get3A_1257] {strides = array<i32>} : memref<32x128xf32, #tpu.memory_space<vmem>>, vector<1x16xf32>,
    %get3A_1259 = vector.shape_cast %get3A_1258 : vector<1x16xf32> to vector<16xf32>
    %add3A_1260 = arith.addf %add3A_1254, %get3A_1259 : vector<16xf32>
    %get3A_1261 = arith.constant 11 : i32
    %get3A_1262 = arith.index_cast %get3A_1261 : i32 to index
    %get3A_1263 = arith.constant 96 : index
    %get3A_1264 = tpu.vector_load %arg4[%get3A_1262, %get3A_1263] {strides = array<i32>} : memref<32x128xf32, #tpu.memory_space<vmem>>, vector<1x16xf32>,
    %get3A_1265 = vector.shape_cast %get3A_1264 : vector<1x16xf32> to vector<16xf32>
    %add3A_1266 = arith.addf %add3A_1260, %get3A_1265 : vector<16xf32>
    %get3A_1267 = arith.constant 12 : i32
    %get3A_1268 = arith.index_cast %get3A_1267 : i32 to index
    %get3A_1269 = arith.constant 96 : index
    %get3A_1270 = tpu.vector_load %arg4[%get3A_1268, %get3A_1269] {strides = array<i32>} : memref<32x128xf32, #tpu.memory_space<vmem>>, vector<1x16xf32>,
    %get3A_1271 = vector.shape_cast %get3A_1270 : vector<1x16xf32> to vector<16xf32>
    %add3A_1272 = arith.addf %add3A_1266, %get3A_1271 : vector<16xf32>
    %get3A_1273 = arith.constant 13 : i32
    %get3A_1274 = arith.index_cast %get3A_1273 : i32 to index
    %get3A_1275 = arith.constant 96 : index
    %get3A_1276 = tpu.vector_load %arg4[%get3A_1274, %get3A_1275] {strides = array<i32>} : memref<32x128xf32, #tpu.memory_space<vmem>>, vector<1x16xf32>,
    %get3A_1277 = vector.shape_cast %get3A_1276 : vector<1x16xf32> to vector<16xf32>
    %add3A_1278 = arith.addf %add3A_1272, %get3A_1277 : vector<16xf32>
    %get3A_1279 = arith.constant 14 : i32
    %get3A_1280 = arith.index_cast %get3A_1279 : i32 to index
    %get3A_1281 = arith.constant 96 : index
    %get3A_1282 = tpu.vector_load %arg4[%get3A_1280, %get3A_1281] {strides = array<i32>} : memref<32x128xf32, #tpu.memory_space<vmem>>, vector<1x16xf32>,
    %get3A_1283 = vector.shape_cast %get3A_1282 : vector<1x16xf32> to vector<16xf32>
    %add3A_1284 = arith.addf %add3A_1278, %get3A_1283 : vector<16xf32>
    %get3A_1285 = arith.constant 15 : i32
    %get3A_1286 = arith.index_cast %get3A_1285 : i32 to index
    %get3A_1287 = arith.constant 96 : index
    %get3A_1288 = tpu.vector_load %arg4[%get3A_1286, %get3A_1287] {strides = array<i32>} : memref<32x128xf32, #tpu.memory_space<vmem>>, vector<1x16xf32>,
    %get3A_1289 = vector.shape_cast %get3A_1288 : vector<1x16xf32> to vector<16xf32>
    %add3A_1290 = arith.addf %add3A_1284, %get3A_1289 : vector<16xf32>
    %get3A_1291 = arith.constant 16 : i32
    %get3A_1292 = arith.index_cast %get3A_1291 : i32 to index
    %get3A_1293 = arith.constant 96 : index
    %get3A_1294 = tpu.vector_load %arg4[%get3A_1292, %get3A_1293] {strides = array<i32>} : memref<32x128xf32, #tpu.memory_space<vmem>>, vector<1x16xf32>,
    %get3A_1295 = vector.shape_cast %get3A_1294 : vector<1x16xf32> to vector<16xf32>
    %add3A_1296 = arith.addf %add3A_1290, %get3A_1295 : vector<16xf32>
    %get3A_1297 = arith.constant 17 : i32
    %get3A_1298 = arith.index_cast %get3A_1297 : i32 to index
    %get3A_1299 = arith.constant 96 : index
    %get3A_1300 = tpu.vector_load %arg4[%get3A_1298, %get3A_1299] {strides = array<i32>} : memref<32x128xf32, #tpu.memory_space<vmem>>, vector<1x16xf32>,
    %get3A_1301 = vector.shape_cast %get3A_1300 : vector<1x16xf32> to vector<16xf32>
    %add3A_1302 = arith.addf %add3A_1296, %get3A_1301 : vector<16xf32>
    %get3A_1303 = arith.constant 18 : i32
    %get3A_1304 = arith.index_cast %get3A_1303 : i32 to index
    %get3A_1305 = arith.constant 96 : index
    %get3A_1306 = tpu.vector_load %arg4[%get3A_1304, %get3A_1305] {strides = array<i32>} : memref<32x128xf32, #tpu.memory_space<vmem>>, vector<1x16xf32>,
    %get3A_1307 = vector.shape_cast %get3A_1306 : vector<1x16xf32> to vector<16xf32>
    %add3A_1308 = arith.addf %add3A_1302, %get3A_1307 : vector<16xf32>
    %get3A_1309 = arith.constant 19 : i32
    %get3A_1310 = arith.index_cast %get3A_1309 : i32 to index
    %get3A_1311 = arith.constant 96 : index
    %get3A_1312 = tpu.vector_load %arg4[%get3A_1310, %get3A_1311] {strides = array<i32>} : memref<32x128xf32, #tpu.memory_space<vmem>>, vector<1x16xf32>,
    %get3A_1313 = vector.shape_cast %get3A_1312 : vector<1x16xf32> to vector<16xf32>
    %add3A_1314 = arith.addf %add3A_1308, %get3A_1313 : vector<16xf32>
    %get3A_1315 = arith.constant 20 : i32
    %get3A_1316 = arith.index_cast %get3A_1315 : i32 to index
    %get3A_1317 = arith.constant 96 : index
    %get3A_1318 = tpu.vector_load %arg4[%get3A_1316, %get3A_1317] {strides = array<i32>} : memref<32x128xf32, #tpu.memory_space<vmem>>, vector<1x16xf32>,
    %get3A_1319 = vector.shape_cast %get3A_1318 : vector<1x16xf32> to vector<16xf32>
    %add3A_1320 = arith.addf %add3A_1314, %get3A_1319 : vector<16xf32>
    %get3A_1321 = arith.constant 21 : i32
    %get3A_1322 = arith.index_cast %get3A_1321 : i32 to index
    %get3A_1323 = arith.constant 96 : index
    %get3A_1324 = tpu.vector_load %arg4[%get3A_1322, %get3A_1323] {strides = array<i32>} : memref<32x128xf32, #tpu.memory_space<vmem>>, vector<1x16xf32>,
    %get3A_1325 = vector.shape_cast %get3A_1324 : vector<1x16xf32> to vector<16xf32>
    %add3A_1326 = arith.addf %add3A_1320, %get3A_1325 : vector<16xf32>
    %get3A_1327 = arith.constant 22 : i32
    %get3A_1328 = arith.index_cast %get3A_1327 : i32 to index
    %get3A_1329 = arith.constant 96 : index
    %get3A_1330 = tpu.vector_load %arg4[%get3A_1328, %get3A_1329] {strides = array<i32>} : memref<32x128xf32, #tpu.memory_space<vmem>>, vector<1x16xf32>,
    %get3A_1331 = vector.shape_cast %get3A_1330 : vector<1x16xf32> to vector<16xf32>
    %add3A_1332 = arith.addf %add3A_1326, %get3A_1331 : vector<16xf32>
    %get3A_1333 = arith.constant 23 : i32
    %get3A_1334 = arith.index_cast %get3A_1333 : i32 to index
    %get3A_1335 = arith.constant 96 : index
    %get3A_1336 = tpu.vector_load %arg4[%get3A_1334, %get3A_1335] {strides = array<i32>} : memref<32x128xf32, #tpu.memory_space<vmem>>, vector<1x16xf32>,
    %get3A_1337 = vector.shape_cast %get3A_1336 : vector<1x16xf32> to vector<16xf32>
    %add3A_1338 = arith.addf %add3A_1332, %get3A_1337 : vector<16xf32>
    %get3A_1339 = arith.constant 24 : i32
    %get3A_1340 = arith.index_cast %get3A_1339 : i32 to index
    %get3A_1341 = arith.constant 96 : index
    %get3A_1342 = tpu.vector_load %arg4[%get3A_1340, %get3A_1341] {strides = array<i32>} : memref<32x128xf32, #tpu.memory_space<vmem>>, vector<1x16xf32>,
    %get3A_1343 = vector.shape_cast %get3A_1342 : vector<1x16xf32> to vector<16xf32>
    %add3A_1344 = arith.addf %add3A_1338, %get3A_1343 : vector<16xf32>
    %get3A_1345 = arith.constant 25 : i32
    %get3A_1346 = arith.index_cast %get3A_1345 : i32 to index
    %get3A_1347 = arith.constant 96 : index
    %get3A_1348 = tpu.vector_load %arg4[%get3A_1346, %get3A_1347] {strides = array<i32>} : memref<32x128xf32, #tpu.memory_space<vmem>>, vector<1x16xf32>,
    %get3A_1349 = vector.shape_cast %get3A_1348 : vector<1x16xf32> to vector<16xf32>
    %add3A_1350 = arith.addf %add3A_1344, %get3A_1349 : vector<16xf32>
    %get3A_1351 = arith.constant 26 : i32
    %get3A_1352 = arith.index_cast %get3A_1351 : i32 to index
    %get3A_1353 = arith.constant 96 : index
    %get3A_1354 = tpu.vector_load %arg4[%get3A_1352, %get3A_1353] {strides = array<i32>} : memref<32x128xf32, #tpu.memory_space<vmem>>, vector<1x16xf32>,
    %get3A_1355 = vector.shape_cast %get3A_1354 : vector<1x16xf32> to vector<16xf32>
    %add3A_1356 = arith.addf %add3A_1350, %get3A_1355 : vector<16xf32>
    %get3A_1357 = arith.constant 27 : i32
    %get3A_1358 = arith.index_cast %get3A_1357 : i32 to index
    %get3A_1359 = arith.constant 96 : index
    %get3A_1360 = tpu.vector_load %arg4[%get3A_1358, %get3A_1359] {strides = array<i32>} : memref<32x128xf32, #tpu.memory_space<vmem>>, vector<1x16xf32>,
    %get3A_1361 = vector.shape_cast %get3A_1360 : vector<1x16xf32> to vector<16xf32>
    %add3A_1362 = arith.addf %add3A_1356, %get3A_1361 : vector<16xf32>
    %get3A_1363 = arith.constant 28 : i32
    %get3A_1364 = arith.index_cast %get3A_1363 : i32 to index
    %get3A_1365 = arith.constant 96 : index
    %get3A_1366 = tpu.vector_load %arg4[%get3A_1364, %get3A_1365] {strides = array<i32>} : memref<32x128xf32, #tpu.memory_space<vmem>>, vector<1x16xf32>,
    %get3A_1367 = vector.shape_cast %get3A_1366 : vector<1x16xf32> to vector<16xf32>
    %add3A_1368 = arith.addf %add3A_1362, %get3A_1367 : vector<16xf32>
    %get3A_1369 = arith.constant 29 : i32
    %get3A_1370 = arith.index_cast %get3A_1369 : i32 to index
    %get3A_1371 = arith.constant 96 : index
    %get3A_1372 = tpu.vector_load %arg4[%get3A_1370, %get3A_1371] {strides = array<i32>} : memref<32x128xf32, #tpu.memory_space<vmem>>, vector<1x16xf32>,
    %get3A_1373 = vector.shape_cast %get3A_1372 : vector<1x16xf32> to vector<16xf32>
    %add3A_1374 = arith.addf %add3A_1368, %get3A_1373 : vector<16xf32>
    %get3A_1375 = arith.constant 30 : i32
    %get3A_1376 = arith.index_cast %get3A_1375 : i32 to index
    %get3A_1377 = arith.constant 96 : index
    %get3A_1378 = tpu.vector_load %arg4[%get3A_1376, %get3A_1377] {strides = array<i32>} : memref<32x128xf32, #tpu.memory_space<vmem>>, vector<1x16xf32>,
    %get3A_1379 = vector.shape_cast %get3A_1378 : vector<1x16xf32> to vector<16xf32>
    %add3A_1380 = arith.addf %add3A_1374, %get3A_1379 : vector<16xf32>
    %get3A_1381 = arith.constant 31 : i32
    %get3A_1382 = arith.index_cast %get3A_1381 : i32 to index
    %get3A_1383 = arith.constant 96 : index
    %get3A_1384 = tpu.vector_load %arg4[%get3A_1382, %get3A_1383] {strides = array<i32>} : memref<32x128xf32, #tpu.memory_space<vmem>>, vector<1x16xf32>,
    %get3A_1385 = vector.shape_cast %get3A_1384 : vector<1x16xf32> to vector<16xf32>
    %add3A_1386 = arith.addf %add3A_1380, %get3A_1385 : vector<16xf32>
    %mul3A_1387 = arith.constant 3.125000e-02 : f32
    %mul3A_1388 = vector.broadcast %mul3A_1387 : f32 to vector<16xf32>
    %mul3A_1389 = arith.mulf %add3A_1386, %mul3A_1388 : vector<16xf32>
    %get3A_1390 = arith.constant 0 : i32
    %get3A_1391 = arith.index_cast %get3A_1390 : i32 to index
    %get3A_1392 = arith.constant 112 : index
    %get3A_1393 = tpu.vector_load %arg4[%get3A_1391, %get3A_1392] {strides = array<i32>} : memref<32x128xf32, #tpu.memory_space<vmem>>, vector<1x16xf32>,
    %get3A_1394 = vector.shape_cast %get3A_1393 : vector<1x16xf32> to vector<16xf32>
    %get3A_1395 = arith.constant 1 : i32
    %get3A_1396 = arith.index_cast %get3A_1395 : i32 to index
    %get3A_1397 = arith.constant 112 : index
    %get3A_1398 = tpu.vector_load %arg4[%get3A_1396, %get3A_1397] {strides = array<i32>} : memref<32x128xf32, #tpu.memory_space<vmem>>, vector<1x16xf32>,
    %get3A_1399 = vector.shape_cast %get3A_1398 : vector<1x16xf32> to vector<16xf32>
    %add3A_1400 = arith.addf %get3A_1394, %get3A_1399 : vector<16xf32>
    %get3A_1401 = arith.constant 2 : i32
    %get3A_1402 = arith.index_cast %get3A_1401 : i32 to index
    %get3A_1403 = arith.constant 112 : index
    %get3A_1404 = tpu.vector_load %arg4[%get3A_1402, %get3A_1403] {strides = array<i32>} : memref<32x128xf32, #tpu.memory_space<vmem>>, vector<1x16xf32>,
    %get3A_1405 = vector.shape_cast %get3A_1404 : vector<1x16xf32> to vector<16xf32>
    %add3A_1406 = arith.addf %add3A_1400, %get3A_1405 : vector<16xf32>
    %get3A_1407 = arith.constant 3 : i32
    %get3A_1408 = arith.index_cast %get3A_1407 : i32 to index
    %get3A_1409 = arith.constant 112 : index
    %get3A_1410 = tpu.vector_load %arg4[%get3A_1408, %get3A_1409] {strides = array<i32>} : memref<32x128xf32, #tpu.memory_space<vmem>>, vector<1x16xf32>,
    %get3A_1411 = vector.shape_cast %get3A_1410 : vector<1x16xf32> to vector<16xf32>
    %add3A_1412 = arith.addf %add3A_1406, %get3A_1411 : vector<16xf32>
    %get3A_1413 = arith.constant 4 : i32
    %get3A_1414 = arith.index_cast %get3A_1413 : i32 to index
    %get3A_1415 = arith.constant 112 : index
    %get3A_1416 = tpu.vector_load %arg4[%get3A_1414, %get3A_1415] {strides = array<i32>} : memref<32x128xf32, #tpu.memory_space<vmem>>, vector<1x16xf32>,
    %get3A_1417 = vector.shape_cast %get3A_1416 : vector<1x16xf32> to vector<16xf32>
    %add3A_1418 = arith.addf %add3A_1412, %get3A_1417 : vector<16xf32>
    %get3A_1419 = arith.constant 5 : i32
    %get3A_1420 = arith.index_cast %get3A_1419 : i32 to index
    %get3A_1421 = arith.constant 112 : index
    %get3A_1422 = tpu.vector_load %arg4[%get3A_1420, %get3A_1421] {strides = array<i32>} : memref<32x128xf32, #tpu.memory_space<vmem>>, vector<1x16xf32>,
    %get3A_1423 = vector.shape_cast %get3A_1422 : vector<1x16xf32> to vector<16xf32>
    %add3A_1424 = arith.addf %add3A_1418, %get3A_1423 : vector<16xf32>
    %get3A_1425 = arith.constant 6 : i32
    %get3A_1426 = arith.index_cast %get3A_1425 : i32 to index
    %get3A_1427 = arith.constant 112 : index
    %get3A_1428 = tpu.vector_load %arg4[%get3A_1426, %get3A_1427] {strides = array<i32>} : memref<32x128xf32, #tpu.memory_space<vmem>>, vector<1x16xf32>,
    %get3A_1429 = vector.shape_cast %get3A_1428 : vector<1x16xf32> to vector<16xf32>
    %add3A_1430 = arith.addf %add3A_1424, %get3A_1429 : vector<16xf32>
    %get3A_1431 = arith.constant 7 : i32
    %get3A_1432 = arith.index_cast %get3A_1431 : i32 to index
    %get3A_1433 = arith.constant 112 : index
    %get3A_1434 = tpu.vector_load %arg4[%get3A_1432, %get3A_1433] {strides = array<i32>} : memref<32x128xf32, #tpu.memory_space<vmem>>, vector<1x16xf32>,
    %get3A_1435 = vector.shape_cast %get3A_1434 : vector<1x16xf32> to vector<16xf32>
    %add3A_1436 = arith.addf %add3A_1430, %get3A_1435 : vector<16xf32>
    %get3A_1437 = arith.constant 8 : i32
    %get3A_1438 = arith.index_cast %get3A_1437 : i32 to index
    %get3A_1439 = arith.constant 112 : index
    %get3A_1440 = tpu.vector_load %arg4[%get3A_1438, %get3A_1439] {strides = array<i32>} : memref<32x128xf32, #tpu.memory_space<vmem>>, vector<1x16xf32>,
    %get3A_1441 = vector.shape_cast %get3A_1440 : vector<1x16xf32> to vector<16xf32>
    %add3A_1442 = arith.addf %add3A_1436, %get3A_1441 : vector<16xf32>
    %get3A_1443 = arith.constant 9 : i32
    %get3A_1444 = arith.index_cast %get3A_1443 : i32 to index
    %get3A_1445 = arith.constant 112 : index
    %get3A_1446 = tpu.vector_load %arg4[%get3A_1444, %get3A_1445] {strides = array<i32>} : memref<32x128xf32, #tpu.memory_space<vmem>>, vector<1x16xf32>,
    %get3A_1447 = vector.shape_cast %get3A_1446 : vector<1x16xf32> to vector<16xf32>
    %add3A_1448 = arith.addf %add3A_1442, %get3A_1447 : vector<16xf32>
    %get3A_1449 = arith.constant 10 : i32
    %get3A_1450 = arith.index_cast %get3A_1449 : i32 to index
    %get3A_1451 = arith.constant 112 : index
    %get3A_1452 = tpu.vector_load %arg4[%get3A_1450, %get3A_1451] {strides = array<i32>} : memref<32x128xf32, #tpu.memory_space<vmem>>, vector<1x16xf32>,
    %get3A_1453 = vector.shape_cast %get3A_1452 : vector<1x16xf32> to vector<16xf32>
    %add3A_1454 = arith.addf %add3A_1448, %get3A_1453 : vector<16xf32>
    %get3A_1455 = arith.constant 11 : i32
    %get3A_1456 = arith.index_cast %get3A_1455 : i32 to index
    %get3A_1457 = arith.constant 112 : index
    %get3A_1458 = tpu.vector_load %arg4[%get3A_1456, %get3A_1457] {strides = array<i32>} : memref<32x128xf32, #tpu.memory_space<vmem>>, vector<1x16xf32>,
    %get3A_1459 = vector.shape_cast %get3A_1458 : vector<1x16xf32> to vector<16xf32>
    %add3A_1460 = arith.addf %add3A_1454, %get3A_1459 : vector<16xf32>
    %get3A_1461 = arith.constant 12 : i32
    %get3A_1462 = arith.index_cast %get3A_1461 : i32 to index
    %get3A_1463 = arith.constant 112 : index
    %get3A_1464 = tpu.vector_load %arg4[%get3A_1462, %get3A_1463] {strides = array<i32>} : memref<32x128xf32, #tpu.memory_space<vmem>>, vector<1x16xf32>,
    %get3A_1465 = vector.shape_cast %get3A_1464 : vector<1x16xf32> to vector<16xf32>
    %add3A_1466 = arith.addf %add3A_1460, %get3A_1465 : vector<16xf32>
    %get3A_1467 = arith.constant 13 : i32
    %get3A_1468 = arith.index_cast %get3A_1467 : i32 to index
    %get3A_1469 = arith.constant 112 : index
    %get3A_1470 = tpu.vector_load %arg4[%get3A_1468, %get3A_1469] {strides = array<i32>} : memref<32x128xf32, #tpu.memory_space<vmem>>, vector<1x16xf32>,
    %get3A_1471 = vector.shape_cast %get3A_1470 : vector<1x16xf32> to vector<16xf32>
    %add3A_1472 = arith.addf %add3A_1466, %get3A_1471 : vector<16xf32>
    %get3A_1473 = arith.constant 14 : i32
    %get3A_1474 = arith.index_cast %get3A_1473 : i32 to index
    %get3A_1475 = arith.constant 112 : index
    %get3A_1476 = tpu.vector_load %arg4[%get3A_1474, %get3A_1475] {strides = array<i32>} : memref<32x128xf32, #tpu.memory_space<vmem>>, vector<1x16xf32>,
    %get3A_1477 = vector.shape_cast %get3A_1476 : vector<1x16xf32> to vector<16xf32>
    %add3A_1478 = arith.addf %add3A_1472, %get3A_1477 : vector<16xf32>
    %get3A_1479 = arith.constant 15 : i32
    %get3A_1480 = arith.index_cast %get3A_1479 : i32 to index
    %get3A_1481 = arith.constant 112 : index
    %get3A_1482 = tpu.vector_load %arg4[%get3A_1480, %get3A_1481] {strides = array<i32>} : memref<32x128xf32, #tpu.memory_space<vmem>>, vector<1x16xf32>,
    %get3A_1483 = vector.shape_cast %get3A_1482 : vector<1x16xf32> to vector<16xf32>
    %add3A_1484 = arith.addf %add3A_1478, %get3A_1483 : vector<16xf32>
    %get3A_1485 = arith.constant 16 : i32
    %get3A_1486 = arith.index_cast %get3A_1485 : i32 to index
    %get3A_1487 = arith.constant 112 : index
    %get3A_1488 = tpu.vector_load %arg4[%get3A_1486, %get3A_1487] {strides = array<i32>} : memref<32x128xf32, #tpu.memory_space<vmem>>, vector<1x16xf32>,
    %get3A_1489 = vector.shape_cast %get3A_1488 : vector<1x16xf32> to vector<16xf32>
    %add3A_1490 = arith.addf %add3A_1484, %get3A_1489 : vector<16xf32>
    %get3A_1491 = arith.constant 17 : i32
    %get3A_1492 = arith.index_cast %get3A_1491 : i32 to index
    %get3A_1493 = arith.constant 112 : index
    %get3A_1494 = tpu.vector_load %arg4[%get3A_1492, %get3A_1493] {strides = array<i32>} : memref<32x128xf32, #tpu.memory_space<vmem>>, vector<1x16xf32>,
    %get3A_1495 = vector.shape_cast %get3A_1494 : vector<1x16xf32> to vector<16xf32>
    %add3A_1496 = arith.addf %add3A_1490, %get3A_1495 : vector<16xf32>
    %get3A_1497 = arith.constant 18 : i32
    %get3A_1498 = arith.index_cast %get3A_1497 : i32 to index
    %get3A_1499 = arith.constant 112 : index
    %get3A_1500 = tpu.vector_load %arg4[%get3A_1498, %get3A_1499] {strides = array<i32>} : memref<32x128xf32, #tpu.memory_space<vmem>>, vector<1x16xf32>,
    %get3A_1501 = vector.shape_cast %get3A_1500 : vector<1x16xf32> to vector<16xf32>
    %add3A_1502 = arith.addf %add3A_1496, %get3A_1501 : vector<16xf32>
    %get3A_1503 = arith.constant 19 : i32
    %get3A_1504 = arith.index_cast %get3A_1503 : i32 to index
    %get3A_1505 = arith.constant 112 : index
    %get3A_1506 = tpu.vector_load %arg4[%get3A_1504, %get3A_1505] {strides = array<i32>} : memref<32x128xf32, #tpu.memory_space<vmem>>, vector<1x16xf32>,
    %get3A_1507 = vector.shape_cast %get3A_1506 : vector<1x16xf32> to vector<16xf32>
    %add3A_1508 = arith.addf %add3A_1502, %get3A_1507 : vector<16xf32>
    %get3A_1509 = arith.constant 20 : i32
    %get3A_1510 = arith.index_cast %get3A_1509 : i32 to index
    %get3A_1511 = arith.constant 112 : index
    %get3A_1512 = tpu.vector_load %arg4[%get3A_1510, %get3A_1511] {strides = array<i32>} : memref<32x128xf32, #tpu.memory_space<vmem>>, vector<1x16xf32>,
    %get3A_1513 = vector.shape_cast %get3A_1512 : vector<1x16xf32> to vector<16xf32>
    %add3A_1514 = arith.addf %add3A_1508, %get3A_1513 : vector<16xf32>
    %get3A_1515 = arith.constant 21 : i32
    %get3A_1516 = arith.index_cast %get3A_1515 : i32 to index
    %get3A_1517 = arith.constant 112 : index
    %get3A_1518 = tpu.vector_load %arg4[%get3A_1516, %get3A_1517] {strides = array<i32>} : memref<32x128xf32, #tpu.memory_space<vmem>>, vector<1x16xf32>,
    %get3A_1519 = vector.shape_cast %get3A_1518 : vector<1x16xf32> to vector<16xf32>
    %add3A_1520 = arith.addf %add3A_1514, %get3A_1519 : vector<16xf32>
    %get3A_1521 = arith.constant 22 : i32
    %get3A_1522 = arith.index_cast %get3A_1521 : i32 to index
    %get3A_1523 = arith.constant 112 : index
    %get3A_1524 = tpu.vector_load %arg4[%get3A_1522, %get3A_1523] {strides = array<i32>} : memref<32x128xf32, #tpu.memory_space<vmem>>, vector<1x16xf32>,
    %get3A_1525 = vector.shape_cast %get3A_1524 : vector<1x16xf32> to vector<16xf32>
    %add3A_1526 = arith.addf %add3A_1520, %get3A_1525 : vector<16xf32>
    %get3A_1527 = arith.constant 23 : i32
    %get3A_1528 = arith.index_cast %get3A_1527 : i32 to index
    %get3A_1529 = arith.constant 112 : index
    %get3A_1530 = tpu.vector_load %arg4[%get3A_1528, %get3A_1529] {strides = array<i32>} : memref<32x128xf32, #tpu.memory_space<vmem>>, vector<1x16xf32>,
    %get3A_1531 = vector.shape_cast %get3A_1530 : vector<1x16xf32> to vector<16xf32>
    %add3A_1532 = arith.addf %add3A_1526, %get3A_1531 : vector<16xf32>
    %get3A_1533 = arith.constant 24 : i32
    %get3A_1534 = arith.index_cast %get3A_1533 : i32 to index
    %get3A_1535 = arith.constant 112 : index
    %get3A_1536 = tpu.vector_load %arg4[%get3A_1534, %get3A_1535] {strides = array<i32>} : memref<32x128xf32, #tpu.memory_space<vmem>>, vector<1x16xf32>,
    %get3A_1537 = vector.shape_cast %get3A_1536 : vector<1x16xf32> to vector<16xf32>
    %add3A_1538 = arith.addf %add3A_1532, %get3A_1537 : vector<16xf32>
    %get3A_1539 = arith.constant 25 : i32
    %get3A_1540 = arith.index_cast %get3A_1539 : i32 to index
    %get3A_1541 = arith.constant 112 : index
    %get3A_1542 = tpu.vector_load %arg4[%get3A_1540, %get3A_1541] {strides = array<i32>} : memref<32x128xf32, #tpu.memory_space<vmem>>, vector<1x16xf32>,
    %get3A_1543 = vector.shape_cast %get3A_1542 : vector<1x16xf32> to vector<16xf32>
    %add3A_1544 = arith.addf %add3A_1538, %get3A_1543 : vector<16xf32>
    %get3A_1545 = arith.constant 26 : i32
    %get3A_1546 = arith.index_cast %get3A_1545 : i32 to index
    %get3A_1547 = arith.constant 112 : index
    %get3A_1548 = tpu.vector_load %arg4[%get3A_1546, %get3A_1547] {strides = array<i32>} : memref<32x128xf32, #tpu.memory_space<vmem>>, vector<1x16xf32>,
    %get3A_1549 = vector.shape_cast %get3A_1548 : vector<1x16xf32> to vector<16xf32>
    %add3A_1550 = arith.addf %add3A_1544, %get3A_1549 : vector<16xf32>
    %get3A_1551 = arith.constant 27 : i32
    %get3A_1552 = arith.index_cast %get3A_1551 : i32 to index
    %get3A_1553 = arith.constant 112 : index
    %get3A_1554 = tpu.vector_load %arg4[%get3A_1552, %get3A_1553] {strides = array<i32>} : memref<32x128xf32, #tpu.memory_space<vmem>>, vector<1x16xf32>,
    %get3A_1555 = vector.shape_cast %get3A_1554 : vector<1x16xf32> to vector<16xf32>
    %add3A_1556 = arith.addf %add3A_1550, %get3A_1555 : vector<16xf32>
    %get3A_1557 = arith.constant 28 : i32
    %get3A_1558 = arith.index_cast %get3A_1557 : i32 to index
    %get3A_1559 = arith.constant 112 : index
    %get3A_1560 = tpu.vector_load %arg4[%get3A_1558, %get3A_1559] {strides = array<i32>} : memref<32x128xf32, #tpu.memory_space<vmem>>, vector<1x16xf32>,
    %get3A_1561 = vector.shape_cast %get3A_1560 : vector<1x16xf32> to vector<16xf32>
    %add3A_1562 = arith.addf %add3A_1556, %get3A_1561 : vector<16xf32>
    %get3A_1563 = arith.constant 29 : i32
    %get3A_1564 = arith.index_cast %get3A_1563 : i32 to index
    %get3A_1565 = arith.constant 112 : index
    %get3A_1566 = tpu.vector_load %arg4[%get3A_1564, %get3A_1565] {strides = array<i32>} : memref<32x128xf32, #tpu.memory_space<vmem>>, vector<1x16xf32>,
    %get3A_1567 = vector.shape_cast %get3A_1566 : vector<1x16xf32> to vector<16xf32>
    %add3A_1568 = arith.addf %add3A_1562, %get3A_1567 : vector<16xf32>
    %get3A_1569 = arith.constant 30 : i32
    %get3A_1570 = arith.index_cast %get3A_1569 : i32 to index
    %get3A_1571 = arith.constant 112 : index
    %get3A_1572 = tpu.vector_load %arg4[%get3A_1570, %get3A_1571] {strides = array<i32>} : memref<32x128xf32, #tpu.memory_space<vmem>>, vector<1x16xf32>,
    %get3A_1573 = vector.shape_cast %get3A_1572 : vector<1x16xf32> to vector<16xf32>
    %add3A_1574 = arith.addf %add3A_1568, %get3A_1573 : vector<16xf32>
    %get3A_1575 = arith.constant 31 : i32
    %get3A_1576 = arith.index_cast %get3A_1575 : i32 to index
    %get3A_1577 = arith.constant 112 : index
    %get3A_1578 = tpu.vector_load %arg4[%get3A_1576, %get3A_1577] {strides = array<i32>} : memref<32x128xf32, #tpu.memory_space<vmem>>, vector<1x16xf32>,
    %get3A_1579 = vector.shape_cast %get3A_1578 : vector<1x16xf32> to vector<16xf32>
    %add3A_1580 = arith.addf %add3A_1574, %get3A_1579 : vector<16xf32>
    %mul3A_1581 = arith.constant 3.125000e-02 : f32
    %mul3A_1582 = vector.broadcast %mul3A_1581 : f32 to vector<16xf32>
    %mul3A_1583 = arith.mulf %add3A_1580, %mul3A_1582 : vector<16xf32>
    %scan3A = arith.constant 0 : i32
    %scan3A_1584 = arith.constant 0 : i32
    %scan3A_1585 = arith.constant 64 : i32
    %scan3A_1586 = arith.addi %scan3A_1584, %scan3A_1585 : i32
    %scan3A_1587 = arith.constant 1 : i32
    scf.for %scan3A_1731 = %scan3A_1584 to %scan3A_1586 step %scan3A_1587  : i32 {
      %swap3A = arith.constant 0 : i32
      %swap3A_1732 = arith.index_cast %swap3A : i32 to index
      %swap3A_1733 = arith.index_cast %scan3A_1731 : i32 to index
      %swap3A_1734 = arith.constant 0 : index
      %swap3A_1735 = tpu.vector_load %arg5[%swap3A_1732, %swap3A_1733, %swap3A_1734] {strides = array<i32>} : memref<1x64x128xf32, #tpu.memory_space<vmem>>, vector<1x1x16xf32>,
      %swap3A_1736 = vector.shape_cast %swap3A_1735 : vector<1x1x16xf32> to vector<16xf32>
      %swap3A_1737 = vector.shape_cast %mul3A_225 : vector<16xf32> to vector<1x1x16xf32>
      tpu.vector_store %arg5[%swap3A_1732, %swap3A_1733, %swap3A_1734], %swap3A_1737 {strides = array<i32>} : memref<1x64x128xf32, #tpu.memory_space<vmem>>, vector<1x1x16xf32>,
      %swap3A_1738 = arith.constant 0 : i32
      %swap3A_1739 = arith.index_cast %swap3A_1738 : i32 to index
      %swap3A_1740 = arith.index_cast %scan3A_1731 : i32 to index
      %swap3A_1741 = arith.constant 16 : index
      %swap3A_1742 = tpu.vector_load %arg5[%swap3A_1739, %swap3A_1740, %swap3A_1741] {strides = array<i32>} : memref<1x64x128xf32, #tpu.memory_space<vmem>>, vector<1x1x16xf32>,
      %swap3A_1743 = vector.shape_cast %swap3A_1742 : vector<1x1x16xf32> to vector<16xf32>
      %swap3A_1744 = vector.shape_cast %mul3A_419 : vector<16xf32> to vector<1x1x16xf32>
      tpu.vector_store %arg5[%swap3A_1739, %swap3A_1740, %swap3A_1741], %swap3A_1744 {strides = array<i32>} : memref<1x64x128xf32, #tpu.memory_space<vmem>>, vector<1x1x16xf32>,
      %swap3A_1745 = arith.constant 0 : i32
      %swap3A_1746 = arith.index_cast %swap3A_1745 : i32 to index
      %swap3A_1747 = arith.index_cast %scan3A_1731 : i32 to index
      %swap3A_1748 = arith.constant 32 : index
      %swap3A_1749 = tpu.vector_load %arg5[%swap3A_1746, %swap3A_1747, %swap3A_1748] {strides = array<i32>} : memref<1x64x128xf32, #tpu.memory_space<vmem>>, vector<1x1x16xf32>,
      %swap3A_1750 = vector.shape_cast %swap3A_1749 : vector<1x1x16xf32> to vector<16xf32>
      %swap3A_1751 = vector.shape_cast %mul3A_613 : vector<16xf32> to vector<1x1x16xf32>
      tpu.vector_store %arg5[%swap3A_1746, %swap3A_1747, %swap3A_1748], %swap3A_1751 {strides = array<i32>} : memref<1x64x128xf32, #tpu.memory_space<vmem>>, vector<1x1x16xf32>,
      %swap3A_1752 = arith.constant 0 : i32
      %swap3A_1753 = arith.index_cast %swap3A_1752 : i32 to index
      %swap3A_1754 = arith.index_cast %scan3A_1731 : i32 to index
      %swap3A_1755 = arith.constant 48 : index
      %swap3A_1756 = tpu.vector_load %arg5[%swap3A_1753, %swap3A_1754, %swap3A_1755] {strides = array<i32>} : memref<1x64x128xf32, #tpu.memory_space<vmem>>, vector<1x1x16xf32>,
      %swap3A_1757 = vector.shape_cast %swap3A_1756 : vector<1x1x16xf32> to vector<16xf32>
      %swap3A_1758 = vector.shape_cast %mul3A_807 : vector<16xf32> to vector<1x1x16xf32>
      tpu.vector_store %arg5[%swap3A_1753, %swap3A_1754, %swap3A_1755], %swap3A_1758 {strides = array<i32>} : memref<1x64x128xf32, #tpu.memory_space<vmem>>, vector<1x1x16xf32>,
      %swap3A_1759 = arith.constant 0 : i32
      %swap3A_1760 = arith.index_cast %swap3A_1759 : i32 to index
      %swap3A_1761 = arith.index_cast %scan3A_1731 : i32 to index
      %swap3A_1762 = arith.constant 64 : index
      %swap3A_1763 = tpu.vector_load %arg5[%swap3A_1760, %swap3A_1761, %swap3A_1762] {strides = array<i32>} : memref<1x64x128xf32, #tpu.memory_space<vmem>>, vector<1x1x16xf32>,
      %swap3A_1764 = vector.shape_cast %swap3A_1763 : vector<1x1x16xf32> to vector<16xf32>
      %swap3A_1765 = vector.shape_cast %mul3A_1001 : vector<16xf32> to vector<1x1x16xf32>
      tpu.vector_store %arg5[%swap3A_1760, %swap3A_1761, %swap3A_1762], %swap3A_1765 {strides = array<i32>} : memref<1x64x128xf32, #tpu.memory_space<vmem>>, vector<1x1x16xf32>,
      %swap3A_1766 = arith.constant 0 : i32
      %swap3A_1767 = arith.index_cast %swap3A_1766 : i32 to index
      %swap3A_1768 = arith.index_cast %scan3A_1731 : i32 to index
      %swap3A_1769 = arith.constant 80 : index
      %swap3A_1770 = tpu.vector_load %arg5[%swap3A_1767, %swap3A_1768, %swap3A_1769] {strides = array<i32>} : memref<1x64x128xf32, #tpu.memory_space<vmem>>, vector<1x1x16xf32>,
      %swap3A_1771 = vector.shape_cast %swap3A_1770 : vector<1x1x16xf32> to vector<16xf32>
      %swap3A_1772 = vector.shape_cast %mul3A_1195 : vector<16xf32> to vector<1x1x16xf32>
      tpu.vector_store %arg5[%swap3A_1767, %swap3A_1768, %swap3A_1769], %swap3A_1772 {strides = array<i32>} : memref<1x64x128xf32, #tpu.memory_space<vmem>>, vector<1x1x16xf32>,
      %swap3A_1773 = arith.constant 0 : i32
      %swap3A_1774 = arith.index_cast %swap3A_1773 : i32 to index
      %swap3A_1775 = arith.index_cast %scan3A_1731 : i32 to index
      %swap3A_1776 = arith.constant 96 : index
      %swap3A_1777 = tpu.vector_load %arg5[%swap3A_1774, %swap3A_1775, %swap3A_1776] {strides = array<i32>} : memref<1x64x128xf32, #tpu.memory_space<vmem>>, vector<1x1x16xf32>,
      %swap3A_1778 = vector.shape_cast %swap3A_1777 : vector<1x1x16xf32> to vector<16xf32>
      %swap3A_1779 = vector.shape_cast %mul3A_1389 : vector<16xf32> to vector<1x1x16xf32>
      tpu.vector_store %arg5[%swap3A_1774, %swap3A_1775, %swap3A_1776], %swap3A_1779 {strides = array<i32>} : memref<1x64x128xf32, #tpu.memory_space<vmem>>, vector<1x1x16xf32>,
      %swap3A_1780 = arith.constant 0 : i32
      %swap3A_1781 = arith.index_cast %swap3A_1780 : i32 to index
      %swap3A_1782 = arith.index_cast %scan3A_1731 : i32 to index
      %swap3A_1783 = arith.constant 112 : index
      %swap3A_1784 = tpu.vector_load %arg5[%swap3A_1781, %swap3A_1782, %swap3A_1783] {strides = array<i32>} : memref<1x64x128xf32, #tpu.memory_space<vmem>>, vector<1x1x16xf32>,
      %swap3A_1785 = vector.shape_cast %swap3A_1784 : vector<1x1x16xf32> to vector<16xf32>
      %swap3A_1786 = vector.shape_cast %mul3A_1583 : vector<16xf32> to vector<1x1x16xf32>
      tpu.vector_store %arg5[%swap3A_1781, %swap3A_1782, %swap3A_1783], %swap3A_1786 {strides = array<i32>} : memref<1x64x128xf32, #tpu.memory_space<vmem>>, vector<1x1x16xf32>,
    }
    %scan3A_1588 = arith.constant 64 : i32
    %add3A_1589 = arith.constant 0 : i32
    %add3A_1590 = arith.addi %mul3A_32, %add3A_1589 : i32
    %dma_start3A = arith.constant 0 : i32
    %dma_start3A_1591 = arith.constant 0 : i32
    %dma_start3A_1592 = tpu.memref_slice %arg3[%select_n3A, %add3A_1590, %dma_start3A, %dma_start3A_1591] : memref<4x64x64x128xf32, #tpu.memory_space<hbm>> -> memref<1x1x64x128xf32, #tpu.memory_space<hbm>>
    %dma_start3A_1593 = tpu.memref_squeeze %dma_start3A_1592 : memref<1x1x64x128xf32, #tpu.memory_space<hbm>> -> memref<1x64x128xf32, #tpu.memory_space<hbm>>
    %dma_start3A_1594 = arith.constant 0 : i32
    %dma_start3A_1595 = arith.constant 0 : i32
    %dma_start3A_1596 = tpu.memref_slice %arg3[%select_n3A, %add3A_1590, %dma_start3A_1594, %dma_start3A_1595] : memref<4x64x64x128xf32, #tpu.memory_space<hbm>> -> memref<1x1x64x128xf32, #tpu.memory_space<hbm>>
    %dma_start3A_1597 = tpu.memref_squeeze %dma_start3A_1596 : memref<1x1x64x128xf32, #tpu.memory_space<hbm>> -> memref<1x64x128xf32, #tpu.memory_space<hbm>>
    tpu.enqueue_dma source(%arg5 : memref<1x64x128xf32, #tpu.memory_space<vmem>>) target(%dma_start3A_1597 : memref<1x64x128xf32, #tpu.memory_space<hbm>>) target_semaphore(%arg6 : memref<!tpu.dma_semaphore, #tpu.memory_space<semaphore_mem>>)
    %add3A_1598 = arith.constant 1 : i32
    %add3A_1599 = arith.addi %mul3A_32, %add3A_1598 : i32
    %dma_start3A_1600 = arith.constant 0 : i32
    %dma_start3A_1601 = arith.constant 0 : i32
    %dma_start3A_1602 = tpu.memref_slice %arg3[%select_n3A, %add3A_1599, %dma_start3A_1600, %dma_start3A_1601] : memref<4x64x64x128xf32, #tpu.memory_space<hbm>> -> memref<1x1x64x128xf32, #tpu.memory_space<hbm>>
    %dma_start3A_1603 = tpu.memref_squeeze %dma_start3A_1602 : memref<1x1x64x128xf32, #tpu.memory_space<hbm>> -> memref<1x64x128xf32, #tpu.memory_space<hbm>>
    %dma_start3A_1604 = arith.constant 0 : i32
    %dma_start3A_1605 = arith.constant 0 : i32
    %dma_start3A_1606 = tpu.memref_slice %arg3[%select_n3A, %add3A_1599, %dma_start3A_1604, %dma_start3A_1605] : memref<4x64x64x128xf32, #tpu.memory_space<hbm>> -> memref<1x1x64x128xf32, #tpu.memory_space<hbm>>
    %dma_start3A_1607 = tpu.memref_squeeze %dma_start3A_1606 : memref<1x1x64x128xf32, #tpu.memory_space<hbm>> -> memref<1x64x128xf32, #tpu.memory_space<hbm>>
    tpu.enqueue_dma source(%arg5 : memref<1x64x128xf32, #tpu.memory_space<vmem>>) target(%dma_start3A_1607 : memref<1x64x128xf32, #tpu.memory_space<hbm>>) target_semaphore(%arg6 : memref<!tpu.dma_semaphore, #tpu.memory_space<semaphore_mem>>)
    %add3A_1608 = arith.constant 2 : i32
    %add3A_1609 = arith.addi %mul3A_32, %add3A_1608 : i32
    %dma_start3A_1610 = arith.constant 0 : i32
    %dma_start3A_1611 = arith.constant 0 : i32
    %dma_start3A_1612 = tpu.memref_slice %arg3[%select_n3A, %add3A_1609, %dma_start3A_1610, %dma_start3A_1611] : memref<4x64x64x128xf32, #tpu.memory_space<hbm>> -> memref<1x1x64x128xf32, #tpu.memory_space<hbm>>
    %dma_start3A_1613 = tpu.memref_squeeze %dma_start3A_1612 : memref<1x1x64x128xf32, #tpu.memory_space<hbm>> -> memref<1x64x128xf32, #tpu.memory_space<hbm>>
    %dma_start3A_1614 = arith.constant 0 : i32
    %dma_start3A_1615 = arith.constant 0 : i32
    %dma_start3A_1616 = tpu.memref_slice %arg3[%select_n3A, %add3A_1609, %dma_start3A_1614, %dma_start3A_1615] : memref<4x64x64x128xf32, #tpu.memory_space<hbm>> -> memref<1x1x64x128xf32, #tpu.memory_space<hbm>>
    %dma_start3A_1617 = tpu.memref_squeeze %dma_start3A_1616 : memref<1x1x64x128xf32, #tpu.memory_space<hbm>> -> memref<1x64x128xf32, #tpu.memory_space<hbm>>
    tpu.enqueue_dma source(%arg5 : memref<1x64x128xf32, #tpu.memory_space<vmem>>) target(%dma_start3A_1617 : memref<1x64x128xf32, #tpu.memory_space<hbm>>) target_semaphore(%arg6 : memref<!tpu.dma_semaphore, #tpu.memory_space<semaphore_mem>>)
    %add3A_1618 = arith.constant 3 : i32
    %add3A_1619 = arith.addi %mul3A_32, %add3A_1618 : i32
    %dma_start3A_1620 = arith.constant 0 : i32
    %dma_start3A_1621 = arith.constant 0 : i32
    %dma_start3A_1622 = tpu.memref_slice %arg3[%select_n3A, %add3A_1619, %dma_start3A_1620, %dma_start3A_1621] : memref<4x64x64x128xf32, #tpu.memory_space<hbm>> -> memref<1x1x64x128xf32, #tpu.memory_space<hbm>>
    %dma_start3A_1623 = tpu.memref_squeeze %dma_start3A_1622 : memref<1x1x64x128xf32, #tpu.memory_space<hbm>> -> memref<1x64x128xf32, #tpu.memory_space<hbm>>
    %dma_start3A_1624 = arith.constant 0 : i32
    %dma_start3A_1625 = arith.constant 0 : i32
    %dma_start3A_1626 = tpu.memref_slice %arg3[%select_n3A, %add3A_1619, %dma_start3A_1624, %dma_start3A_1625] : memref<4x64x64x128xf32, #tpu.memory_space<hbm>> -> memref<1x1x64x128xf32, #tpu.memory_space<hbm>>
    %dma_start3A_1627 = tpu.memref_squeeze %dma_start3A_1626 : memref<1x1x64x128xf32, #tpu.memory_space<hbm>> -> memref<1x64x128xf32, #tpu.memory_space<hbm>>
    tpu.enqueue_dma source(%arg5 : memref<1x64x128xf32, #tpu.memory_space<vmem>>) target(%dma_start3A_1627 : memref<1x64x128xf32, #tpu.memory_space<hbm>>) target_semaphore(%arg6 : memref<!tpu.dma_semaphore, #tpu.memory_space<semaphore_mem>>)
    %add3A_1628 = arith.constant 4 : i32
    %add3A_1629 = arith.addi %mul3A_32, %add3A_1628 : i32
    %dma_start3A_1630 = arith.constant 0 : i32
    %dma_start3A_1631 = arith.constant 0 : i32
    %dma_start3A_1632 = tpu.memref_slice %arg3[%select_n3A, %add3A_1629, %dma_start3A_1630, %dma_start3A_1631] : memref<4x64x64x128xf32, #tpu.memory_space<hbm>> -> memref<1x1x64x128xf32, #tpu.memory_space<hbm>>
    %dma_start3A_1633 = tpu.memref_squeeze %dma_start3A_1632 : memref<1x1x64x128xf32, #tpu.memory_space<hbm>> -> memref<1x64x128xf32, #tpu.memory_space<hbm>>
    %dma_start3A_1634 = arith.constant 0 : i32
    %dma_start3A_1635 = arith.constant 0 : i32
    %dma_start3A_1636 = tpu.memref_slice %arg3[%select_n3A, %add3A_1629, %dma_start3A_1634, %dma_start3A_1635] : memref<4x64x64x128xf32, #tpu.memory_space<hbm>> -> memref<1x1x64x128xf32, #tpu.memory_space<hbm>>
    %dma_start3A_1637 = tpu.memref_squeeze %dma_start3A_1636 : memref<1x1x64x128xf32, #tpu.memory_space<hbm>> -> memref<1x64x128xf32, #tpu.memory_space<hbm>>
    tpu.enqueue_dma source(%arg5 : memref<1x64x128xf32, #tpu.memory_space<vmem>>) target(%dma_start3A_1637 : memref<1x64x128xf32, #tpu.memory_space<hbm>>) target_semaphore(%arg6 : memref<!tpu.dma_semaphore, #tpu.memory_space<semaphore_mem>>)
    %add3A_1638 = arith.constant 5 : i32
    %add3A_1639 = arith.addi %mul3A_32, %add3A_1638 : i32
    %dma_start3A_1640 = arith.constant 0 : i32
    %dma_start3A_1641 = arith.constant 0 : i32
    %dma_start3A_1642 = tpu.memref_slice %arg3[%select_n3A, %add3A_1639, %dma_start3A_1640, %dma_start3A_1641] : memref<4x64x64x128xf32, #tpu.memory_space<hbm>> -> memref<1x1x64x128xf32, #tpu.memory_space<hbm>>
    %dma_start3A_1643 = tpu.memref_squeeze %dma_start3A_1642 : memref<1x1x64x128xf32, #tpu.memory_space<hbm>> -> memref<1x64x128xf32, #tpu.memory_space<hbm>>
    %dma_start3A_1644 = arith.constant 0 : i32
    %dma_start3A_1645 = arith.constant 0 : i32
    %dma_start3A_1646 = tpu.memref_slice %arg3[%select_n3A, %add3A_1639, %dma_start3A_1644, %dma_start3A_1645] : memref<4x64x64x128xf32, #tpu.memory_space<hbm>> -> memref<1x1x64x128xf32, #tpu.memory_space<hbm>>
    %dma_start3A_1647 = tpu.memref_squeeze %dma_start3A_1646 : memref<1x1x64x128xf32, #tpu.memory_space<hbm>> -> memref<1x64x128xf32, #tpu.memory_space<hbm>>
    tpu.enqueue_dma source(%arg5 : memref<1x64x128xf32, #tpu.memory_space<vmem>>) target(%dma_start3A_1647 : memref<1x64x128xf32, #tpu.memory_space<hbm>>) target_semaphore(%arg6 : memref<!tpu.dma_semaphore, #tpu.memory_space<semaphore_mem>>)
    %add3A_1648 = arith.constant 6 : i32
    %add3A_1649 = arith.addi %mul3A_32, %add3A_1648 : i32
    %dma_start3A_1650 = arith.constant 0 : i32
    %dma_start3A_1651 = arith.constant 0 : i32
    %dma_start3A_1652 = tpu.memref_slice %arg3[%select_n3A, %add3A_1649, %dma_start3A_1650, %dma_start3A_1651] : memref<4x64x64x128xf32, #tpu.memory_space<hbm>> -> memref<1x1x64x128xf32, #tpu.memory_space<hbm>>
    %dma_start3A_1653 = tpu.memref_squeeze %dma_start3A_1652 : memref<1x1x64x128xf32, #tpu.memory_space<hbm>> -> memref<1x64x128xf32, #tpu.memory_space<hbm>>
    %dma_start3A_1654 = arith.constant 0 : i32
    %dma_start3A_1655 = arith.constant 0 : i32
    %dma_start3A_1656 = tpu.memref_slice %arg3[%select_n3A, %add3A_1649, %dma_start3A_1654, %dma_start3A_1655] : memref<4x64x64x128xf32, #tpu.memory_space<hbm>> -> memref<1x1x64x128xf32, #tpu.memory_space<hbm>>
    %dma_start3A_1657 = tpu.memref_squeeze %dma_start3A_1656 : memref<1x1x64x128xf32, #tpu.memory_space<hbm>> -> memref<1x64x128xf32, #tpu.memory_space<hbm>>
    tpu.enqueue_dma source(%arg5 : memref<1x64x128xf32, #tpu.memory_space<vmem>>) target(%dma_start3A_1657 : memref<1x64x128xf32, #tpu.memory_space<hbm>>) target_semaphore(%arg6 : memref<!tpu.dma_semaphore, #tpu.memory_space<semaphore_mem>>)
    %add3A_1658 = arith.constant 7 : i32
    %add3A_1659 = arith.addi %mul3A_32, %add3A_1658 : i32
    %dma_start3A_1660 = arith.constant 0 : i32
    %dma_start3A_1661 = arith.constant 0 : i32
    %dma_start3A_1662 = tpu.memref_slice %arg3[%select_n3A, %add3A_1659, %dma_start3A_1660, %dma_start3A_1661] : memref<4x64x64x128xf32, #tpu.memory_space<hbm>> -> memref<1x1x64x128xf32, #tpu.memory_space<hbm>>
    %dma_start3A_1663 = tpu.memref_squeeze %dma_start3A_1662 : memref<1x1x64x128xf32, #tpu.memory_space<hbm>> -> memref<1x64x128xf32, #tpu.memory_space<hbm>>
    %dma_start3A_1664 = arith.constant 0 : i32
    %dma_start3A_1665 = arith.constant 0 : i32
    %dma_start3A_1666 = tpu.memref_slice %arg3[%select_n3A, %add3A_1659, %dma_start3A_1664, %dma_start3A_1665] : memref<4x64x64x128xf32, #tpu.memory_space<hbm>> -> memref<1x1x64x128xf32, #tpu.memory_space<hbm>>
    %dma_start3A_1667 = tpu.memref_squeeze %dma_start3A_1666 : memref<1x1x64x128xf32, #tpu.memory_space<hbm>> -> memref<1x64x128xf32, #tpu.memory_space<hbm>>
    tpu.enqueue_dma source(%arg5 : memref<1x64x128xf32, #tpu.memory_space<vmem>>) target(%dma_start3A_1667 : memref<1x64x128xf32, #tpu.memory_space<hbm>>) target_semaphore(%arg6 : memref<!tpu.dma_semaphore, #tpu.memory_space<semaphore_mem>>)
    %dma_wait3A = arith.constant 0 : i32
    %dma_wait3A_1668 = arith.constant 0 : i32
    %dma_wait3A_1669 = tpu.memref_slice %arg3[%select_n3A, %add3A_1590, %dma_wait3A, %dma_wait3A_1668] : memref<4x64x64x128xf32, #tpu.memory_space<hbm>> -> memref<1x1x64x128xf32, #tpu.memory_space<hbm>>
    %dma_wait3A_1670 = tpu.memref_squeeze %dma_wait3A_1669 : memref<1x1x64x128xf32, #tpu.memory_space<hbm>> -> memref<1x64x128xf32, #tpu.memory_space<hbm>>
    %dma_wait3A_1671 = arith.constant 0 : i32
    %dma_wait3A_1672 = arith.constant 0 : i32
    %dma_wait3A_1673 = tpu.memref_slice %arg3[%select_n3A, %add3A_1590, %dma_wait3A_1671, %dma_wait3A_1672] : memref<4x64x64x128xf32, #tpu.memory_space<hbm>> -> memref<1x1x64x128xf32, #tpu.memory_space<hbm>>
    %dma_wait3A_1674 = tpu.memref_squeeze %dma_wait3A_1673 : memref<1x1x64x128xf32, #tpu.memory_space<hbm>> -> memref<1x64x128xf32, #tpu.memory_space<hbm>>
    tpu.wait_dma2 semaphore(%arg6 : memref<!tpu.dma_semaphore, #tpu.memory_space<semaphore_mem>>) src(%arg5 : memref<1x64x128xf32, #tpu.memory_space<vmem>>) dst(%dma_wait3A_1674 : memref<1x64x128xf32, #tpu.memory_space<hbm>>)
    %dma_wait3A_1675 = arith.constant 0 : i32
    %dma_wait3A_1676 = arith.constant 0 : i32
    %dma_wait3A_1677 = tpu.memref_slice %arg3[%select_n3A, %add3A_1599, %dma_wait3A_1675, %dma_wait3A_1676] : memref<4x64x64x128xf32, #tpu.memory_space<hbm>> -> memref<1x1x64x128xf32, #tpu.memory_space<hbm>>
    %dma_wait3A_1678 = tpu.memref_squeeze %dma_wait3A_1677 : memref<1x1x64x128xf32, #tpu.memory_space<hbm>> -> memref<1x64x128xf32, #tpu.memory_space<hbm>>
    %dma_wait3A_1679 = arith.constant 0 : i32
    %dma_wait3A_1680 = arith.constant 0 : i32
    %dma_wait3A_1681 = tpu.memref_slice %arg3[%select_n3A, %add3A_1599, %dma_wait3A_1679, %dma_wait3A_1680] : memref<4x64x64x128xf32, #tpu.memory_space<hbm>> -> memref<1x1x64x128xf32, #tpu.memory_space<hbm>>
    %dma_wait3A_1682 = tpu.memref_squeeze %dma_wait3A_1681 : memref<1x1x64x128xf32, #tpu.memory_space<hbm>> -> memref<1x64x128xf32, #tpu.memory_space<hbm>>
    tpu.wait_dma2 semaphore(%arg6 : memref<!tpu.dma_semaphore, #tpu.memory_space<semaphore_mem>>) src(%arg5 : memref<1x64x128xf32, #tpu.memory_space<vmem>>) dst(%dma_wait3A_1682 : memref<1x64x128xf32, #tpu.memory_space<hbm>>)
    %dma_wait3A_1683 = arith.constant 0 : i32
    %dma_wait3A_1684 = arith.constant 0 : i32
    %dma_wait3A_1685 = tpu.memref_slice %arg3[%select_n3A, %add3A_1609, %dma_wait3A_1683, %dma_wait3A_1684] : memref<4x64x64x128xf32, #tpu.memory_space<hbm>> -> memref<1x1x64x128xf32, #tpu.memory_space<hbm>>
    %dma_wait3A_1686 = tpu.memref_squeeze %dma_wait3A_1685 : memref<1x1x64x128xf32, #tpu.memory_space<hbm>> -> memref<1x64x128xf32, #tpu.memory_space<hbm>>
    %dma_wait3A_1687 = arith.constant 0 : i32
    %dma_wait3A_1688 = arith.constant 0 : i32
    %dma_wait3A_1689 = tpu.memref_slice %arg3[%select_n3A, %add3A_1609, %dma_wait3A_1687, %dma_wait3A_1688] : memref<4x64x64x128xf32, #tpu.memory_space<hbm>> -> memref<1x1x64x128xf32, #tpu.memory_space<hbm>>
    %dma_wait3A_1690 = tpu.memref_squeeze %dma_wait3A_1689 : memref<1x1x64x128xf32, #tpu.memory_space<hbm>> -> memref<1x64x128xf32, #tpu.memory_space<hbm>>
    tpu.wait_dma2 semaphore(%arg6 : memref<!tpu.dma_semaphore, #tpu.memory_space<semaphore_mem>>) src(%arg5 : memref<1x64x128xf32, #tpu.memory_space<vmem>>) dst(%dma_wait3A_1690 : memref<1x64x128xf32, #tpu.memory_space<hbm>>)
    %dma_wait3A_1691 = arith.constant 0 : i32
    %dma_wait3A_1692 = arith.constant 0 : i32
    %dma_wait3A_1693 = tpu.memref_slice %arg3[%select_n3A, %add3A_1619, %dma_wait3A_1691, %dma_wait3A_1692] : memref<4x64x64x128xf32, #tpu.memory_space<hbm>> -> memref<1x1x64x128xf32, #tpu.memory_space<hbm>>
    %dma_wait3A_1694 = tpu.memref_squeeze %dma_wait3A_1693 : memref<1x1x64x128xf32, #tpu.memory_space<hbm>> -> memref<1x64x128xf32, #tpu.memory_space<hbm>>
    %dma_wait3A_1695 = arith.constant 0 : i32
    %dma_wait3A_1696 = arith.constant 0 : i32
    %dma_wait3A_1697 = tpu.memref_slice %arg3[%select_n3A, %add3A_1619, %dma_wait3A_1695, %dma_wait3A_1696] : memref<4x64x64x128xf32, #tpu.memory_space<hbm>> -> memref<1x1x64x128xf32, #tpu.memory_space<hbm>>
    %dma_wait3A_1698 = tpu.memref_squeeze %dma_wait3A_1697 : memref<1x1x64x128xf32, #tpu.memory_space<hbm>> -> memref<1x64x128xf32, #tpu.memory_space<hbm>>
    tpu.wait_dma2 semaphore(%arg6 : memref<!tpu.dma_semaphore, #tpu.memory_space<semaphore_mem>>) src(%arg5 : memref<1x64x128xf32, #tpu.memory_space<vmem>>) dst(%dma_wait3A_1698 : memref<1x64x128xf32, #tpu.memory_space<hbm>>)
    %dma_wait3A_1699 = arith.constant 0 : i32
    %dma_wait3A_1700 = arith.constant 0 : i32
    %dma_wait3A_1701 = tpu.memref_slice %arg3[%select_n3A, %add3A_1629, %dma_wait3A_1699, %dma_wait3A_1700] : memref<4x64x64x128xf32, #tpu.memory_space<hbm>> -> memref<1x1x64x128xf32, #tpu.memory_space<hbm>>
    %dma_wait3A_1702 = tpu.memref_squeeze %dma_wait3A_1701 : memref<1x1x64x128xf32, #tpu.memory_space<hbm>> -> memref<1x64x128xf32, #tpu.memory_space<hbm>>
    %dma_wait3A_1703 = arith.constant 0 : i32
    %dma_wait3A_1704 = arith.constant 0 : i32
    %dma_wait3A_1705 = tpu.memref_slice %arg3[%select_n3A, %add3A_1629, %dma_wait3A_1703, %dma_wait3A_1704] : memref<4x64x64x128xf32, #tpu.memory_space<hbm>> -> memref<1x1x64x128xf32, #tpu.memory_space<hbm>>
    %dma_wait3A_1706 = tpu.memref_squeeze %dma_wait3A_1705 : memref<1x1x64x128xf32, #tpu.memory_space<hbm>> -> memref<1x64x128xf32, #tpu.memory_space<hbm>>
    tpu.wait_dma2 semaphore(%arg6 : memref<!tpu.dma_semaphore, #tpu.memory_space<semaphore_mem>>) src(%arg5 : memref<1x64x128xf32, #tpu.memory_space<vmem>>) dst(%dma_wait3A_1706 : memref<1x64x128xf32, #tpu.memory_space<hbm>>)
    %dma_wait3A_1707 = arith.constant 0 : i32
    %dma_wait3A_1708 = arith.constant 0 : i32
    %dma_wait3A_1709 = tpu.memref_slice %arg3[%select_n3A, %add3A_1639, %dma_wait3A_1707, %dma_wait3A_1708] : memref<4x64x64x128xf32, #tpu.memory_space<hbm>> -> memref<1x1x64x128xf32, #tpu.memory_space<hbm>>
    %dma_wait3A_1710 = tpu.memref_squeeze %dma_wait3A_1709 : memref<1x1x64x128xf32, #tpu.memory_space<hbm>> -> memref<1x64x128xf32, #tpu.memory_space<hbm>>
    %dma_wait3A_1711 = arith.constant 0 : i32
    %dma_wait3A_1712 = arith.constant 0 : i32
    %dma_wait3A_1713 = tpu.memref_slice %arg3[%select_n3A, %add3A_1639, %dma_wait3A_1711, %dma_wait3A_1712] : memref<4x64x64x128xf32, #tpu.memory_space<hbm>> -> memref<1x1x64x128xf32, #tpu.memory_space<hbm>>
    %dma_wait3A_1714 = tpu.memref_squeeze %dma_wait3A_1713 : memref<1x1x64x128xf32, #tpu.memory_space<hbm>> -> memref<1x64x128xf32, #tpu.memory_space<hbm>>
    tpu.wait_dma2 semaphore(%arg6 : memref<!tpu.dma_semaphore, #tpu.memory_space<semaphore_mem>>) src(%arg5 : memref<1x64x128xf32, #tpu.memory_space<vmem>>) dst(%dma_wait3A_1714 : memref<1x64x128xf32, #tpu.memory_space<hbm>>)
    %dma_wait3A_1715 = arith.constant 0 : i32
    %dma_wait3A_1716 = arith.constant 0 : i32
    %dma_wait3A_1717 = tpu.memref_slice %arg3[%select_n3A, %add3A_1649, %dma_wait3A_1715, %dma_wait3A_1716] : memref<4x64x64x128xf32, #tpu.memory_space<hbm>> -> memref<1x1x64x128xf32, #tpu.memory_space<hbm>>
    %dma_wait3A_1718 = tpu.memref_squeeze %dma_wait3A_1717 : memref<1x1x64x128xf32, #tpu.memory_space<hbm>> -> memref<1x64x128xf32, #tpu.memory_space<hbm>>
    %dma_wait3A_1719 = arith.constant 0 : i32
    %dma_wait3A_1720 = arith.constant 0 : i32
    %dma_wait3A_1721 = tpu.memref_slice %arg3[%select_n3A, %add3A_1649, %dma_wait3A_1719, %dma_wait3A_1720] : memref<4x64x64x128xf32, #tpu.memory_space<hbm>> -> memref<1x1x64x128xf32, #tpu.memory_space<hbm>>
    %dma_wait3A_1722 = tpu.memref_squeeze %dma_wait3A_1721 : memref<1x1x64x128xf32, #tpu.memory_space<hbm>> -> memref<1x64x128xf32, #tpu.memory_space<hbm>>
    tpu.wait_dma2 semaphore(%arg6 : memref<!tpu.dma_semaphore, #tpu.memory_space<semaphore_mem>>) src(%arg5 : memref<1x64x128xf32, #tpu.memory_space<vmem>>) dst(%dma_wait3A_1722 : memref<1x64x128xf32, #tpu.memory_space<hbm>>)
    %dma_wait3A_1723 = arith.constant 0 : i32
    %dma_wait3A_1724 = arith.constant 0 : i32
    %dma_wait3A_1725 = tpu.memref_slice %arg3[%select_n3A, %add3A_1659, %dma_wait3A_1723, %dma_wait3A_1724] : memref<4x64x64x128xf32, #tpu.memory_space<hbm>> -> memref<1x1x64x128xf32, #tpu.memory_space<hbm>>
    %dma_wait3A_1726 = tpu.memref_squeeze %dma_wait3A_1725 : memref<1x1x64x128xf32, #tpu.memory_space<hbm>> -> memref<1x64x128xf32, #tpu.memory_space<hbm>>
    %dma_wait3A_1727 = arith.constant 0 : i32
    %dma_wait3A_1728 = arith.constant 0 : i32
    %dma_wait3A_1729 = tpu.memref_slice %arg3[%select_n3A, %add3A_1659, %dma_wait3A_1727, %dma_wait3A_1728] : memref<4x64x64x128xf32, #tpu.memory_space<hbm>> -> memref<1x1x64x128xf32, #tpu.memory_space<hbm>>
    %dma_wait3A_1730 = tpu.memref_squeeze %dma_wait3A_1729 : memref<1x1x64x128xf32, #tpu.memory_space<hbm>> -> memref<1x64x128xf32, #tpu.memory_space<hbm>>
    tpu.wait_dma2 semaphore(%arg6 : memref<!tpu.dma_semaphore, #tpu.memory_space<semaphore_mem>>) src(%arg5 : memref<1x64x128xf32, #tpu.memory_space<vmem>>) dst(%dma_wait3A_1730 : memref<1x64x128xf32, #tpu.memory_space<hbm>>)
    return
  }
}

</mosaic_0001>

<sc_bundles>
// kernel: kernel.3.cloned.1.call-start
scs
__scs_entry_jumppad:
0x0: {  	(pc) =	sbr.rel $0x88, $3  }
0x1: {  	(tag) =	ssettag $0x0;
	lr =	simm.s32 $0x1  }
0x2: {  	[smem:$0x3FA0] =	sst lr;
	_ =	strace $0xD0000000  }
0x3: {  	_ = 	snop  }
0x4: {  	_ = 	snop  }
0x5: {  	_ = 	snop  }
0x6: {  	_ = 	snop  }
0x7: {  	_ = 	snop  }
__scs_overlays_trampoline_lowered:
0x8: {  	[smem:$0x3FAF] =	sst s0  }
0x9: {  	[smem:$0x3FB0] =	sst s1  }
0xa: {  	[smem:$0x3FB1] =	sst s2  }
0xb: {  	[smem:$0x3FB2] =	sst s3  }
0xc: {  	[smem:$0x3FB3] =	sst s4  }
0xd: {  	[smem:$0x3FB4] =	sst s5  }
0xe: {  	[smem:$0x3FB5] =	sst s6  }
0xf: {  	[smem:$0x3FB6] =	sst s7  }
0x10: {  	[smem:$0x3FB7] =	sst s8  }
0x11: {  	[smem:$0x3FB8] =	sst s9;
	s0 =	simm.s32 @!p0 $0x0  }
0x12: {  	s1 =	sld [smem:$0x3F9E];
	s0 =	simm.s32 @p0 $0x1  }
0x13: {  	[smem:$0x3FB9] =	sst s0;
	s0 =	simm.s32 @!p1 $0x0  }
0x14: {  	s2 =	sld [smem:$0x3F9D];
	s0 =	simm.s32 @p1 $0x1  }
0x15: {  	[smem:$0x3FBA] =	sst s0;
	s0 =	simm.s32 @!p2 $0x0  }
0x16: {  	s3 =	sld [smem:$0x3FDB];
	s0 =	simm.s32 @p2 $0x1  }
0x17: {  	s4 =	simm.s32 $0x1BF5;
	[smem:$0x3FBC] =	sst s0  }
0x18: {  	s0 =	sld [smem:$0x3F9F];
	_ =	swait.ge [sflag:s4], $0x0  }
0x19: {  	s7 =	sld [smem:$0x3FA0]  }
0x1a: {  	s8 =	sadd.s32 $0xFFFFE003, lr  }
0x1b: {  	s9 =	sadd.s32 $0xFFFFFEF7, lr;
	s5 =	simm.s32 $0xFFFFFFFF;
	p2 =	slt.u32 s8, $0xFFFFF086  }
0x1c: {  	p1 =	slt.u32 s9, $0xF7A;
	s5 =	simm.s32 @!p2 $0x0  }
0x1d: {  	s5 =	simm.s32 @p1 $0x1;
	p0 =	seq.s32 s7, s2  }
0x1e: {  	s7 =	smul.u32 @!p0 $0xF7A, s2;
	p2 =	seq.s32 @!p0 s5, $0x0  }
0x1f: {  	s9 =	smul.u32 $0xF7A, s1;
	s8 =	simm.s32 @!p0 $0x1BF5;
	p2 =	por !p2, p0  }
0x20: {  	[sflag:s8] =	ssyncset.s32 @!p0 $0xFFFFF086;
	s6 =	sadd.s32 @!p0 s3, s7;
	s7 =	simm.s32 @!p0 $0x108  }
0x21: {  	s3 =	sadd.s32 s3, s9;
	s6 =	sadd.s32 @!p0 $0x88, s6;
	s7 =	simm.s32 @p2 $0x1082  }
0x22: {  	[simem:s7], [sflag:s8] =	dma.local @!p0 [hbm:s6], $0xF7A  }
0x23: {  	s9 =	sor.u32 $0xD0000000, s2;
	s6 =	simm.s32 $0x108;
	_ =	swait.ge @!p0 [sflag:s8], $0x0  }
0x24: {  	s3 =	sadd.s32 $0x88, s3;
	s6 =	simm.s32 @!p1 $0x1082;
	[sflag:s4] =	ssyncset.s32 $0xFFFFF086  }
0x25: {  	[simem:s6], [sflag:s4] =	dma.local [hbm:s3], $0xF7A  }
0x26: {  	[smem:$0x3FA0] =	sst s1;
	(tag) =	ssettag s2;
	_ =	strace s9  }
0x27: {  	s1 =	sld [smem:$0x3FB0]  }
0x28: {  	s2 =	sld [smem:$0x3FB1]  }
0x29: {  	s4 =	sld [smem:$0x3FB3]  }
0x2a: {  	p0 =	seq.s32 s5, $0x0;
	s5 =	sld [smem:$0x3FB4]  }
0x2b: {  	s6 =	sld [smem:$0x3FB5]  }
0x2c: {  	s7 =	sld [smem:$0x3FB6]  }
0x2d: {  	s3 =	simm.s32 $0x108;
	s8 =	sld [smem:$0x3FB7]  }
0x2e: {  	s3 =	simm.s32 @!p0 $0x1082;
	s9 =	sld [smem:$0x3FB8]  }
0x2f: {  	lr =	sadd.s32 s0, s3;
	s0 =	sld [smem:$0x3FAF]  }
0x30: {  	s3 =	sld [smem:$0x3FB2]  }
0x31: {  	[smem:$0x3FBB] =	sst s10  }
0x32: {  	s10 =	sld [smem:$0x3FB9];
	_ =	sdelay $0x3  }
0x33: {  	p0 =	seq.s32 s10, $0x1;
	s10 =	sld [smem:$0x3FBB];
	_ =	sdelay $0x3  }
0x34: {  	[smem:$0x3FBB] =	sst s10  }
0x35: {  	s10 =	sld [smem:$0x3FBA];
	_ =	sdelay $0x3  }
0x36: {  	p1 =	seq.s32 s10, $0x1;
	s10 =	sld [smem:$0x3FBB];
	_ =	sdelay $0x3  }
0x37: {  	[smem:$0x3FBB] =	sst s10  }
0x38: {  	s10 =	sld [smem:$0x3FBC]  }
0x39: {  	_ = 	snop;
	(pc) =	sbr.ind lr, $3  }
0x3a: {  	_ = 	snop  }
0x3b: {  	_ = 	snop  }
0x3c: {  	p2 =	seq.s32 s10, $0x1;
	s10 =	sld [smem:$0x3FBB]  }
0x3d: {  	_ =	shalt  }
0x3e: {  	_ =	shalt  }
0x3f: {  	_ =	shalt  }
0x40: {  	_ =	shalt  }
0x41: {  	_ =	shalt  }
0x42: {  	_ =	shalt  }
0x43: {  	_ =	shalt  }
0x44: {  	_ =	shalt  }
0x45: {  	_ =	shalt  }
0x46: {  	_ =	shalt  }
0x47: {  	_ =	shalt  }
0x48: {  	_ =	shalt  }
0x49: {  	_ =	shalt  }
0x4a: {  	_ =	shalt  }
0x4b: {  	_ =	shalt  }
0x4c: {  	_ =	shalt  }
0x4d: {  	_ =	shalt  }
0x4e: {  	_ =	shalt  }
0x4f: {  	_ =	shalt  }
0x50: {  	_ =	shalt  }
0x51: {  	_ =	shalt  }
0x52: {  	_ =	shalt  }
0x53: {  	_ =	shalt  }
0x54: {  	_ =	shalt  }
0x55: {  	_ =	shalt  }
0x56: {  	_ =	shalt  }
0x57: {  	_ =	shalt  }
0x58: {  	_ =	shalt  }
0x59: {  	_ =	shalt  }
0x5a: {  	_ =	shalt  }
0x5b: {  	_ =	shalt  }
0x5c: {  	_ =	shalt  }
0x5d: {  	_ =	shalt  }
0x5e: {  	_ =	shalt  }
0x5f: {  	_ =	shalt  }
0x60: {  	_ =	shalt  }
0x61: {  	_ =	shalt  }
0x62: {  	_ =	shalt  }
0x63: {  	_ =	shalt  }
0x64: {  	_ =	shalt  }
0x65: {  	_ =	shalt  }
0x66: {  	_ =	shalt  }
0x67: {  	_ =	shalt  }
0x68: {  	_ =	shalt  }
0x69: {  	_ =	shalt  }
0x6a: {  	_ =	shalt  }
0x6b: {  	_ =	shalt  }
0x6c: {  	_ =	shalt  }
0x6d: {  	_ =	shalt  }
0x6e: {  	_ =	shalt  }
0x6f: {  	_ =	shalt  }
0x70: {  	_ =	shalt  }
0x71: {  	_ =	shalt  }
0x72: {  	_ =	shalt  }
0x73: {  	_ =	shalt  }
0x74: {  	_ =	shalt  }
0x75: {  	_ =	shalt  }
0x76: {  	_ =	shalt  }
0x77: {  	_ =	shalt  }
0x78: {  	_ =	shalt  }
0x79: {  	_ =	shalt  }
0x7a: {  	_ =	shalt  }
0x7b: {  	_ =	shalt  }
0x7c: {  	_ =	shalt  }
0x7d: {  	_ =	shalt  }
0x7e: {  	_ =	shalt  }
0x7f: {  	_ =	shalt  }
0x80: {  	_ =	shalt  }
0x81: {  	_ =	shalt  }
0x82: {  	_ =	shalt  }
0x83: {  	_ =	shalt  }
0x84: {  	_ =	shalt  }
0x85: {  	_ =	shalt  }
0x86: {  	_ =	shalt  }
0x87: {  	_ =	shalt  }
.Lfunc_end0:
.L_simem_size_0:
called_computation_lowered:
.L_overlay_start_0:
0x88: {  	s2 =	sld [smem:$0x3FD9]  }
0x89: {  	s3 =	sld [smem:$0x3FFE];
	_ =	sdelay $0x1  }
0x8a: {  	s1 =	srdreg.scid  }
0x8b: {  	s0 =	sand.u32 $0x1, s1  }
0x8c: {  	s17 =	sshll.u32 s0, $0xA;
	s2 =	sadd.s32 s3, s2  }
0x8d: {  	s2 =	sadd.s32 s2, s17  }
0x8e: {  	[smem:$0x3FC7] =	sst s2  }
0x8f: {  	_ = 	snop  }
0x90: {  	s2 =	sld [smem:$0x3FD0];
	(tm) =	ssettm $0x1  }
0x91: {  	s18 =	sld [smem:$0x3FFB];
	_ =	sdelay $0x3  }
0x92: {  	_ =	strace s18  }
0x93: {  	s3 =	sld [smem:$0x3FFC];
	_ =	sdelay $0x3  }
0x94: {  	_ =	strace s3  }
0x95: {  	s3 =	sld [smem:$0x3FFD];
	_ =	sdelay $0x3  }
0x96: {  	_ =	strace s3  }
0x97: {  	_ =	strace $0x8FFFFFFF  }
0x98: {  	s19 =	sld [smem:$0x3FDB];
	_ =	sdelay $0x1  }
0x99: {  	s4 =	simm.s32 $_scs_section_size  }
0x9a: {  	s5 =	simm.s32 $_size__tile_overlayer_lowered;
	s6 =	simm.s32 $_tile_overlayer_lowered  }
0x9b: {  	s22 =	simm.s32 $0x1BFF;
	s21 =	sshll.u32 s6, $0x1;
	s3 =	sadd.s32 s4, s19  }
0x9c: {  	s7 =	simm.s32 $0x0;
	s20 =	sshll.u32 s5, $0x1;
	s5 =	sadd.s32 s21, s3  }
0x9d: {  	[timem:s7], [sflag:s22] =	dma.local [hbm:s5], s20  }
0x9e: {  	_ =	swait.ge [sflag:s22], s20  }
0x9f: {  	s4 =	ssub.s32 $0x0, s20;
	[sflag:s22] =	ssyncset.done $0x0  }
0xa0: {  	[sflag:s22] =	ssyncadd.s32 s4;
	_ =	sdelay $0x1  }
0xa1: {  	s23 =	simm.s32 $0x1B8B  }
0xa2: {  	_ =	swait.ge [sflag:s23], $0x1  }
0xa3: {  	[sflag:s23] =	ssyncset.done $0x0  }
0xa4: {  	s25 =	simm.s32 $0x1B8E;
	s24 =	sld [smem:$0x3FFE];
	[sflag:s23] =	ssyncadd.s32 $0xFFFFFFFF  }
0xa5: {  	s26 =	simm.s32 $execute0_lowered;
	[smem:$0x3FD2] =	sst s25  }
0xa6: {  	s5 =	sshll.u32 s26, $0x1;
	_ =	strace $0x80000046;
	[dreg:$0x1] =	wrdreg $0xFFFFFFFF  }
0xa7: {  	s28 =	simm.s32 $_size_execute0_lowered;
	s3 =	sadd.s32 s3, s5;
	[dreg:$0x0] =	wrdreg $0x0  }
0xa8: {  	s5 =	sshll.u32 s28, $0x1;
	[dreg:$0x2] =	wrdreg s3  }
0xa9: {  	[dreg:$0x3] =	wrdreg s5  }
0xaa: {  	[dreg:$0x4] =	wrdreg $0xC0  }
0xab: {  	_ =	task [dreg:s7], $0x5FFFF  }
0xac: {  	[dreg:$0x1] =	wrdreg $0xFFFFFFFF  }
0xad: {  	[dreg:$0x0] =	wrdreg $0x60  }
0xae: {  	[dreg:$0x2] =	wrdreg s24  }
0xaf: {  	[dreg:$0x3] =	wrdreg s2  }
0xb0: {  	[dreg:$0x4] =	wrdreg $0x9  }
0xb1: {  	_ =	task.clear_ibuf [dreg:s7], $0x5FFFF;
	_ =	strace $0x90000046  }
0xb2: {  	s29 =	simm.s32 $0x9;
	_ =	strace $0x80000048  }
0xb3: {  	_ =	swait.ge [sflag:s29], $0x1  }
0xb4: {  	[sflag:s29] =	ssyncadd.s32 $0xFFFFFFFF  }
0xb5: {  	_ =	strace $0x90000048  }
0xb6: {  	_ =	sfence  }
0xb7: {  	s30 =	sld [smem:$0x0];
	_ =	sdelay $0x2  }
0xb8: {  	s31 =	sshll.u32 s1, $0xD;
	s1 =	sshrl.u32 s1, $0x2  }
0xb9: {  	s3 =	sand.u32 $0x4000, s31;
	s1 =	sadd.s32 s1, s30  }
0xba: {  	s0 =	sor.u32 s3, s0;
	s1 =	sshll.u32 s1, $0x11  }
0xbb: {  	s0 =	sor.u32 s1, s0  }
0xbc: {  	s0 =	sadd.s32 $0x8F2B, s0  }
0xbd: {  	[sflag:s0] =	ssyncadd.remote.s32 $0x1  }
0xbe: {  	_ =	sfence.sel $0xFFFF  }
0xbf: {  	[dreg:$0x0] =	wrdreg $0xFFFFFFFF;
	(pc) =	sbr.abs _section_cstart, $3  }
0xc0: {  	[dreg:$0x1] =	wrdreg $0xFFFFFFFF  }
0xc1: {  	_ =	task.clear_ibuf [dreg:s7], $0x2FFFF;
	_ =	strace $0x9FFFFFFF  }
0xc2: {  	(tm) =	ssettm $0x7FFFFFFF  }
0xc3: {  	_ =	shalt  }
tec
execute0_lowered:
.L_overlay_start_1:
0x0: {  	(tag) =	ssettag $0x1  }
0x1: {  	s3 =	rddreg [dreg:$0x0]  }
0x2: {  	s4 =	rddreg [dreg:$0x1]  }
0x3: {  	s0 =	rddreg [dreg:$0x2];
	s2 =	simm.s32 $0x0;
	s1 =	stileid.u32  }
0x4: {  	s5 =	srdreg.scid;
	s13 =	simm.s32 $0x2;
	s14 =	simm.s32 $0x1000  }
0x5: {  	s15 =	simm.s32 $0x1;
	s16 =	simm.s32 $0x0;
	s6 =	sshll.u32 s1, $0x1  }
0x6: {  	s7 =	sshrl.u32 s1, $0x2;
	s5 =	sand.u32 $0x1, s5;
	s6 =	sand.u32 $0x6, s6  }
0x7: {  	[smem:$0x7FF] =	sst s2;
	s8 =	sshll.u32 s7, $0x9;
	s6 =	sor.u32 s5, s6  }
0x8: {  	s7 =	sshll.u32 s7, $0x10;
	s5 =	ssub.s32 $0x2, s5;
	s6 =	sshll.u32 s6, $0xD  }
0x9: {  	_ =	strace $0x80000047;
	s31 =	sshrl.u32 s5, $0x1;
	s6 =	sor.u32 s7, s6  }
0xa: {  	s3 =	sadd.s32 s8, s3;
	s12 =	ssub.s32 s5, s31;
	s4 =	sadd.s32 s4, s6  }
0xb: {  	s3 =	sadd.s32 $0x400, s3;
	s12 =	smax.u32 s12, $0x1;
	s5 =	sadd.s32 $0x400, s4  }
0xc: {  	s6 =	sadd.s32 $0x800, s4;
	s7 =	sadd.s32 $0xC00, s4;
	s8 =	sadd.s32 $0x1000, s4  }
0xd: {  	s9 =	sadd.s32 $0x1400, s4;
	s10 =	sadd.s32 $0x1800, s4;
	s11 =	sadd.s32 $0x1C00, s4  }
.LBB2_1:
0xe: {  	[tilespmem:s2], [sflag:$0x2] =	stream.linear.gather [hbm4b:s3+s2], $0x1000, $0x38;
	[tilespmem:$0x3000] =	vst v63  }
0xf: {  	_ =	swait.ge [sflag:s13], $0x1000  }
0x10: {  	[sflag:s13] =	ssyncset.done $0x0  }
0x11: {  	[sflag:s13] =	ssyncadd.s32 $0xFFFFF000  }
0x12: {  	v0 =	vld [tilespmem:$0x380];
	_ =	sdelay $0x4  }
0x13: {  	[tilespmem:$0x1FA70] =	vst v0;
	v0 =	vld [tilespmem:$0x400];
	_ =	sdelay $0x4  }
0x14: {  	[tilespmem:$0x1FA80] =	vst v0;
	v0 =	vld [tilespmem:$0x480];
	_ =	sdelay $0x4  }
0x15: {  	[tilespmem:$0x1FA90] =	vst v0;
	v0 =	vld [tilespmem:$0x500];
	_ =	sdelay $0x4  }
0x16: {  	[tilespmem:$0x1FAA0] =	vst v0;
	v0 =	vld [tilespmem:$0x580];
	_ =	sdelay $0x4  }
0x17: {  	[tilespmem:$0x1FAB0] =	vst v0;
	v0 =	vld [tilespmem:$0x600];
	_ =	sdelay $0x4  }
0x18: {  	[tilespmem:$0x1FAC0] =	vst v0;
	v0 =	vld [tilespmem:$0x680];
	_ =	sdelay $0x4  }
0x19: {  	[tilespmem:$0x1FAD0] =	vst v0;
	v0 =	vld [tilespmem:$0x700];
	_ =	sdelay $0x4  }
0x1a: {  	[tilespmem:$0x1FAF0] =	vst v0;
	v0 =	vld [tilespmem:$0x780];
	_ =	sdelay $0x4  }
0x1b: {  	[tilespmem:$0x1FB10] =	vst v0;
	v0 =	vld [tilespmem:$0x800];
	_ =	sdelay $0x4  }
0x1c: {  	[tilespmem:$0x1FB30] =	vst v0;
	v0 =	vld [tilespmem:$0x880];
	_ =	sdelay $0x4  }
0x1d: {  	[tilespmem:$0x1FB50] =	vst v0;
	v0 =	vld [tilespmem:$0x900];
	_ =	sdelay $0x4  }
0x1e: {  	[tilespmem:$0x1FB70] =	vst v0;
	v0 =	vld [tilespmem:$0x980];
	_ =	sdelay $0x4  }
0x1f: {  	[tilespmem:$0x1FB90] =	vst v0;
	v0 =	vld [tilespmem:$0xA00];
	_ =	sdelay $0x4  }
0x20: {  	[tilespmem:$0x1FBB0] =	vst v0;
	v0 =	vld [tilespmem:$0xA80];
	_ =	sdelay $0x4  }
0x21: {  	[tilespmem:$0x1FBE0] =	vst v0;
	v0 =	vld [tilespmem:$0xB00];
	_ =	sdelay $0x4  }
0x22: {  	[tilespmem:$0x1FC10] =	vst v0;
	v0 =	vld [tilespmem:$0xB80];
	_ =	sdelay $0x4  }
0x23: {  	[tilespmem:$0x1FC40] =	vst v0;
	v0 =	vld [tilespmem:$0xC00];
	_ =	sdelay $0x4  }
0x24: {  	[tilespmem:$0x1FC70] =	vst v0;
	v0 =	vld [tilespmem:$0xC80];
	_ =	sdelay $0x4  }
0x25: {  	[tilespmem:$0x1FCA0] =	vst v0;
	v0 =	vld [tilespmem:$0xD00];
	_ =	sdelay $0x4  }
0x26: {  	[tilespmem:$0x1FCE0] =	vst v0;
	v0 =	vld [tilespmem:$0xD80];
	_ =	sdelay $0x4  }
0x27: {  	[tilespmem:$0x1FD20] =	vst v0;
	v0 =	vld [tilespmem:$0xE00];
	_ =	sdelay $0x4  }
0x28: {  	[tilespmem:$0x1FD60] =	vst v0;
	v0 =	vld [tilespmem:$0xE80];
	_ =	sdelay $0x4  }
0x29: {  	[tilespmem:$0x1FDA0] =	vst v0;
	v0 =	vld [tilespmem:$0xF00];
	_ =	sdelay $0x4  }
0x2a: {  	[tilespmem:$0x1FDE0] =	vst v0;
	v0 =	vld [tilespmem:$0xF80];
	_ =	sdelay $0x4  }
0x2b: {  	[tilespmem:$0x1FE20] =	vst v0;
	v0 =	vld [tilespmem:$0x690];
	_ =	sdelay $0x4  }
0x2c: {  	[tilespmem:$0x1FAE0] =	vst v0;
	v0 =	vld [tilespmem:$0x710];
	_ =	sdelay $0x4  }
0x2d: {  	[tilespmem:$0x1FB00] =	vst v0;
	v0 =	vld [tilespmem:$0x790];
	_ =	sdelay $0x4  }
0x2e: {  	[tilespmem:$0x1FB20] =	vst v0;
	v0 =	vld [tilespmem:$0x810];
	_ =	sdelay $0x4  }
0x2f: {  	[tilespmem:$0x1FB40] =	vst v0;
	v0 =	vld [tilespmem:$0x890];
	_ =	sdelay $0x4  }
0x30: {  	[tilespmem:$0x1FB60] =	vst v0;
	v0 =	vld [tilespmem:$0x910];
	_ =	sdelay $0x4  }
0x31: {  	[tilespmem:$0x1FB80] =	vst v0;
	v0 =	vld [tilespmem:$0x990];
	_ =	sdelay $0x4  }
0x32: {  	[tilespmem:$0x1FBA0] =	vst v0;
	v0 =	vld [tilespmem:$0xA10];
	_ =	sdelay $0x4  }
0x33: {  	[tilespmem:$0x1FBD0] =	vst v0;
	v0 =	vld [tilespmem:$0xA90];
	_ =	sdelay $0x4  }
0x34: {  	[tilespmem:$0x1FC00] =	vst v0;
	v0 =	vld [tilespmem:$0xB10];
	_ =	sdelay $0x4  }
0x35: {  	[tilespmem:$0x1FC30] =	vst v0;
	v0 =	vld [tilespmem:$0xB90];
	_ =	sdelay $0x4  }
0x36: {  	[tilespmem:$0x1FC60] =	vst v0;
	v0 =	vld [tilespmem:$0xC10];
	_ =	sdelay $0x4  }
0x37: {  	[tilespmem:$0x1FC90] =	vst v0;
	v0 =	vld [tilespmem:$0xC90];
	_ =	sdelay $0x4  }
0x38: {  	[tilespmem:$0x1FCC0] =	vst v0;
	v0 =	vld [tilespmem:$0xD10];
	_ =	sdelay $0x4  }
0x39: {  	[tilespmem:$0x1FD00] =	vst v0;
	v0 =	vld [tilespmem:$0xD90];
	_ =	sdelay $0x4  }
0x3a: {  	[tilespmem:$0x1FD40] =	vst v0;
	v0 =	vld [tilespmem:$0xE10];
	_ =	sdelay $0x4  }
0x3b: {  	[tilespmem:$0x1FD80] =	vst v0;
	v0 =	vld [tilespmem:$0xE90];
	_ =	sdelay $0x4  }
0x3c: {  	[tilespmem:$0x1FDC0] =	vst v0;
	v0 =	vld [tilespmem:$0xF10];
	_ =	sdelay $0x4  }
0x3d: {  	[tilespmem:$0x1FE00] =	vst v0;
	v0 =	vld [tilespmem:$0xF90];
	_ =	sdelay $0x4  }
0x3e: {  	[tilespmem:$0x1FE40] =	vst v0;
	v0 =	vld [tilespmem:$0x9A0];
	_ =	sdelay $0x4  }
0x3f: {  	[tilespmem:$0x1FBC0] =	vst v0;
	v0 =	vld [tilespmem:$0xA20];
	_ =	sdelay $0x4  }
0x40: {  	[tilespmem:$0x1FBF0] =	vst v0;
	v0 =	vld [tilespmem:$0xAA0];
	_ =	sdelay $0x4  }
0x41: {  	[tilespmem:$0x1FC20] =	vst v0;
	v0 =	vld [tilespmem:$0xB20];
	_ =	sdelay $0x4  }
0x42: {  	[tilespmem:$0x1FC50] =	vst v0;
	v0 =	vld [tilespmem:$0xBA0];
	_ =	sdelay $0x4  }
0x43: {  	[tilespmem:$0x1FC80] =	vst v0;
	v0 =	vld [tilespmem:$0xC20];
	_ =	sdelay $0x4  }
0x44: {  	[tilespmem:$0x1FCB0] =	vst v0;
	v0 =	vld [tilespmem:$0xCA0];
	_ =	sdelay $0x4  }
0x45: {  	[tilespmem:$0x1FCF0] =	vst v0;
	v0 =	vld [tilespmem:$0xD20];
	_ =	sdelay $0x4  }
0x46: {  	[tilespmem:$0x1FD30] =	vst v0;
	v0 =	vld [tilespmem:$0xDA0];
	_ =	sdelay $0x4  }
0x47: {  	[tilespmem:$0x1FD70] =	vst v0;
	v0 =	vld [tilespmem:$0xE20];
	_ =	sdelay $0x4  }
0x48: {  	[tilespmem:$0x1FDB0] =	vst v0;
	v0 =	vld [tilespmem:$0xEA0];
	_ =	sdelay $0x4  }
0x49: {  	[tilespmem:$0x1FDF0] =	vst v0;
	v0 =	vld [tilespmem:$0xF20];
	_ =	sdelay $0x4  }
0x4a: {  	[tilespmem:$0x1FE30] =	vst v0;
	v0 =	vld [tilespmem:$0xFA0];
	_ =	sdelay $0x3  }
0x4b: {  	v1 =	vld [tilespmem:$0x30]  }
0x4c: {  	[tilespmem:$0x1FE60] =	vst v0;
	v0 =	vld [tilespmem:$0xB0];
	_ =	sdelay $0x1  }
0x4d: {  	v2 =	vld [tilespmem:$0x130];
	_ =	sdelay $0x1  }
0x4e: {  	v3 =	vld [tilespmem:$0x1B0]  }
0x4f: {  	v0 =	vadd.f32 v0, v1  }
0x50: {  	v4 =	vld [tilespmem:$0x230]  }
0x51: {  	v0 =	vadd.f32 v2, v0;
	_ =	sdelay $0x1  }
0x52: {  	v0 =	vadd.f32 v3, v0;
	_ =	sdelay $0x1  }
0x53: {  	v0 =	vadd.f32 v4, v0;
	v4 =	vld [tilespmem:$0x840];
	_ =	sdelay $0x1  }
0x54: {  	v42 =	vld [tilespmem:$0x0]  }
0x55: {  	v40 =	vld [tilespmem:$0x80]  }
0x56: {  	v44 =	vld [tilespmem:$0x100]  }
0x57: {  	[tilespmem:$0x1FF80] =	vst v4;
	v4 =	vld [tilespmem:$0x8C0]  }
0x58: {  	v48 =	vld [tilespmem:$0x180]  }
0x59: {  	v1 =	vld [tilespmem:$0x540]  }
0x5a: {  	v40 =	vadd.f32 v40, v42  }
0x5b: {  	v52 =	vld [tilespmem:$0x200]  }
0x5c: {  	v40 =	vadd.f32 v44, v40;
	[tilespmem:$0x1FF90] =	vst v4;
	v4 =	vld [tilespmem:$0x940]  }
0x5d: {  	v56 =	vld [tilespmem:$0x280]  }
0x5e: {  	[tilespmem:$0x1FF20] =	vst v1;
	v1 =	vadd.f32 v48, v40  }
0x5f: {  	v60 =	vld [tilespmem:$0x300]  }
0x60: {  	v1 =	vadd.f32 v52, v1  }
0x61: {  	[tilespmem:$0x1FFA0] =	vst v4;
	v4 =	vld [tilespmem:$0x1FA70]  }
0x62: {  	v1 =	vadd.f32 v56, v1;
	_ =	sdelay $0x1  }
0x63: {  	v1 =	vadd.f32 v60, v1;
	_ =	sdelay $0x1  }
0x64: {  	v1 =	vadd.f32 v4, v1;
	v4 =	vld [tilespmem:$0x9C0];
	_ =	sdelay $0x4  }
0x65: {  	[tilespmem:$0x1FFB0] =	vst v4;
	v4 =	vld [tilespmem:$0xA40];
	_ =	sdelay $0x4  }
0x66: {  	[tilespmem:$0x1FFC0] =	vst v4;
	v4 =	vld [tilespmem:$0x1FA80];
	_ =	sdelay $0x4  }
0x67: {  	v1 =	vadd.f32 v4, v1;
	v4 =	vld [tilespmem:$0xAC0];
	_ =	sdelay $0x4  }
0x68: {  	[tilespmem:$0x1FFD0] =	vst v4;
	v4 =	vld [tilespmem:$0xB40];
	_ =	sdelay $0x1  }
0x69: {  	v22 =	vld [tilespmem:$0x10]  }
0x6a: {  	v20 =	vld [tilespmem:$0x90]  }
0x6b: {  	v24 =	vld [tilespmem:$0x110]  }
0x6c: {  	[tilespmem:$0x1FFE0] =	vst v4;
	v4 =	vld [tilespmem:$0x1FA90]  }
0x6d: {  	v27 =	vld [tilespmem:$0x190]  }
0x6e: {  	v8 =	vld [tilespmem:$0x20]  }
0x6f: {  	v7 =	vld [tilespmem:$0xA0]  }
0x70: {  	v10 =	vld [tilespmem:$0x120]  }
0x71: {  	v1 =	vadd.f32 v4, v1;
	v4 =	vld [tilespmem:$0xBC0]  }
0x72: {  	v12 =	vld [tilespmem:$0x1A0]  }
0x73: {  	v2 =	vld [tilespmem:$0x640]  }
0x74: {  	v7 =	vadd.f32 v7, v8;
	v8 =	vld [tilespmem:$0x4C0]  }
0x75: {  	v3 =	vld [tilespmem:$0x740]  }
0x76: {  	v7 =	vadd.f32 v10, v7;
	[tilespmem:$0x1FFF0] =	vst v4;
	v4 =	vld [tilespmem:$0x1FAA0]  }
0x77: {  	v30 =	vld [tilespmem:$0x210];
	v20 =	vadd.f32 v20, v22  }
0x78: {  	[tilespmem:$0x1FF40] =	vst v2;
	v2 =	vadd.f32 v12, v7;
	v7 =	vld [tilespmem:$0x6C0]  }
0x79: {  	v33 =	vld [tilespmem:$0x290];
	[tilespmem:$0x1FF10] =	vst v8;
	v8 =	vadd.f32 v24, v20  }
0x7a: {  	[tilespmem:$0x1FF60] =	vst v3;
	v3 =	vld [tilespmem:$0x7C0]  }
0x7b: {  	v8 =	vadd.f32 v27, v8;
	v1 =	vadd.f32 v4, v1;
	v4 =	vld [tilespmem:$0x1FAB0]  }
0x7c: {  	v36 =	vld [tilespmem:$0x310]  }
0x7d: {  	[tilespmem:$0x1FF50] =	vst v7;
	v7 =	vadd.f32 v30, v8  }
0x7e: {  	v39 =	vld [tilespmem:$0x390]  }
0x7f: {  	v45 =	vld [tilespmem:$0x410];
	[tilespmem:$0x1FF70] =	vst v3;
	v3 =	vadd.f32 v33, v7  }
0x80: {  	v1 =	vadd.f32 v4, v1;
	v4 =	vld [tilespmem:$0x1FAC0]  }
0x81: {  	v3 =	vadd.f32 v36, v3  }
0x82: {  	v49 =	vld [tilespmem:$0x490]  }
0x83: {  	v3 =	vadd.f32 v39, v3  }
0x84: {  	v53 =	vld [tilespmem:$0x510]  }
0x85: {  	v3 =	vadd.f32 v45, v3;
	v1 =	vadd.f32 v4, v1;
	v4 =	vld [tilespmem:$0x1FAD0]  }
0x86: {  	v57 =	vld [tilespmem:$0x590]  }
0x87: {  	v3 =	vadd.f32 v49, v3  }
0x88: {  	v61 =	vld [tilespmem:$0x610]  }
0x89: {  	v3 =	vadd.f32 v53, v3  }
0x8a: {  	v1 =	vadd.f32 v4, v1;
	v4 =	vld [tilespmem:$0x1FAE0]  }
0x8b: {  	v3 =	vadd.f32 v57, v3;
	_ =	sdelay $0x1  }
0x8c: {  	v3 =	vadd.f32 v61, v3;
	_ =	sdelay $0x1  }
0x8d: {  	v3 =	vadd.f32 v4, v3;
	v4 =	vld [tilespmem:$0x1FAF0];
	_ =	sdelay $0x4  }
0x8e: {  	v1 =	vadd.f32 v4, v1;
	v4 =	vld [tilespmem:$0x1FB00];
	_ =	sdelay $0x4  }
0x8f: {  	v3 =	vadd.f32 v4, v3;
	v4 =	vld [tilespmem:$0x1FB10];
	_ =	sdelay $0x4  }
0x90: {  	v1 =	vadd.f32 v4, v1;
	v4 =	vld [tilespmem:$0x1FB20];
	_ =	sdelay $0x1  }
0x91: {  	v63 =	vld [tilespmem:$0xC30];
	_ =	sdelay $0x2  }
0x92: {  	v3 =	vadd.f32 v4, v3;
	v4 =	vld [tilespmem:$0x1FB30];
	_ =	sdelay $0x1  }
0x93: {  	[tilespmem:$0x1FCD0] =	vst v63;
	v63 =	vld [tilespmem:$0xCB0];
	_ =	sdelay $0x2  }
0x94: {  	v1 =	vadd.f32 v4, v1;
	v4 =	vld [tilespmem:$0x1FB40];
	_ =	sdelay $0x1  }
0x95: {  	[tilespmem:$0x1FD10] =	vst v63;
	v63 =	vld [tilespmem:$0xD30];
	_ =	sdelay $0x2  }
0x96: {  	v3 =	vadd.f32 v4, v3;
	v4 =	vld [tilespmem:$0x1FB50];
	_ =	sdelay $0x1  }
0x97: {  	[tilespmem:$0x1FD50] =	vst v63;
	v63 =	vld [tilespmem:$0xDB0]  }
0x98: {  	v14 =	vld [tilespmem:$0x220]  }
0x99: {  	v16 =	vld [tilespmem:$0x2A0]  }
0x9a: {  	v1 =	vadd.f32 v4, v1;
	v4 =	vld [tilespmem:$0x1FB60]  }
0x9b: {  	v18 =	vld [tilespmem:$0x320]  }
0x9c: {  	[tilespmem:$0x1FD90] =	vst v63;
	v63 =	vld [tilespmem:$0xE30]  }
0x9d: {  	v21 =	vld [tilespmem:$0x3A0]  }
0x9e: {  	v25 =	vld [tilespmem:$0x420]  }
0x9f: {  	v2 =	vadd.f32 v14, v2;
	v3 =	vadd.f32 v4, v3;
	v4 =	vld [tilespmem:$0x1FB70]  }
0xa0: {  	v28 =	vld [tilespmem:$0x4A0]  }
0xa1: {  	[tilespmem:$0x1FDD0] =	vst v63;
	v63 =	vld [tilespmem:$0xEB0];
	v2 =	vadd.f32 v16, v2  }
0xa2: {  	v31 =	vld [tilespmem:$0x520]  }
0xa3: {  	v34 =	vld [tilespmem:$0x5A0];
	v2 =	vadd.f32 v18, v2  }
0xa4: {  	v1 =	vadd.f32 v4, v1;
	v4 =	vld [tilespmem:$0x1FB80]  }
0xa5: {  	v37 =	vld [tilespmem:$0x620];
	v2 =	vadd.f32 v21, v2  }
0xa6: {  	[tilespmem:$0x1FE10] =	vst v63;
	v63 =	vld [tilespmem:$0xF30]  }
0xa7: {  	v41 =	vld [tilespmem:$0x6A0];
	v2 =	vadd.f32 v25, v2  }
0xa8: {  	v46 =	vld [tilespmem:$0x720]  }
0xa9: {  	v2 =	vadd.f32 v28, v2;
	v3 =	vadd.f32 v4, v3;
	v4 =	vld [tilespmem:$0x1FB90]  }
0xaa: {  	v50 =	vld [tilespmem:$0x7A0]  }
0xab: {  	[tilespmem:$0x1FE50] =	vst v63;
	v63 =	vld [tilespmem:$0xFB0];
	v2 =	vadd.f32 v31, v2  }
0xac: {  	v54 =	vld [tilespmem:$0x820]  }
0xad: {  	v58 =	vld [tilespmem:$0x8A0];
	v2 =	vadd.f32 v34, v2  }
0xae: {  	v1 =	vadd.f32 v4, v1;
	v4 =	vld [tilespmem:$0x1FBA0]  }
0xaf: {  	v62 =	vld [tilespmem:$0x920];
	v2 =	vadd.f32 v37, v2  }
0xb0: {  	[tilespmem:$0x1FE90] =	vst v63;
	v63 =	vld [tilespmem:$0x40]  }
0xb1: {  	v5 =	vld [tilespmem:$0x2B0];
	v2 =	vadd.f32 v41, v2  }
0xb2: {  	v6 =	vld [tilespmem:$0x330]  }
0xb3: {  	v2 =	vadd.f32 v46, v2;
	v3 =	vadd.f32 v4, v3;
	v4 =	vld [tilespmem:$0x1FBB0]  }
0xb4: {  	v9 =	vld [tilespmem:$0x3B0]  }
0xb5: {  	[tilespmem:$0x1FE70] =	vst v63;
	v63 =	vld [tilespmem:$0xC0];
	v2 =	vadd.f32 v50, v2  }
0xb6: {  	v11 =	vld [tilespmem:$0x430]  }
0xb7: {  	v13 =	vld [tilespmem:$0x4B0];
	v2 =	vadd.f32 v54, v2  }
0xb8: {  	v1 =	vadd.f32 v4, v1;
	v4 =	vld [tilespmem:$0x1FBC0]  }
0xb9: {  	v15 =	vld [tilespmem:$0x530];
	v2 =	vadd.f32 v58, v2  }
0xba: {  	[tilespmem:$0x1FE80] =	vst v63;
	v63 =	vld [tilespmem:$0x140]  }
0xbb: {  	v17 =	vld [tilespmem:$0x5B0];
	v2 =	vadd.f32 v62, v2  }
0xbc: {  	v19 =	vld [tilespmem:$0x630]  }
0xbd: {  	v2 =	vadd.f32 v4, v2;
	v4 =	vld [tilespmem:$0x1FBD0]  }
0xbe: {  	v23 =	vld [tilespmem:$0x6B0]  }
0xbf: {  	[tilespmem:$0x1FEA0] =	vst v63;
	v63 =	vld [tilespmem:$0x1C0]  }
0xc0: {  	v26 =	vld [tilespmem:$0x730]  }
0xc1: {  	v29 =	vld [tilespmem:$0x7B0]  }
0xc2: {  	v3 =	vadd.f32 v4, v3;
	v4 =	vld [tilespmem:$0x1FBE0]  }
0xc3: {  	v32 =	vld [tilespmem:$0x830]  }
0xc4: {  	[tilespmem:$0x1FEB0] =	vst v63;
	v63 =	vld [tilespmem:$0x240]  }
0xc5: {  	v35 =	vld [tilespmem:$0x8B0]  }
0xc6: {  	v38 =	vld [tilespmem:$0x930]  }
0xc7: {  	v1 =	vadd.f32 v4, v1;
	v4 =	vld [tilespmem:$0x1FBF0]  }
0xc8: {  	v43 =	vld [tilespmem:$0x9B0]  }
0xc9: {  	[tilespmem:$0x1FEC0] =	vst v63;
	v63 =	vld [tilespmem:$0x2C0]  }
0xca: {  	v47 =	vld [tilespmem:$0xA30]  }
0xcb: {  	v51 =	vld [tilespmem:$0xAB0]  }
0xcc: {  	v2 =	vadd.f32 v4, v2;
	v4 =	vld [tilespmem:$0x1FC00]  }
0xcd: {  	v55 =	vld [tilespmem:$0xB30]  }
0xce: {  	[tilespmem:$0x1FED0] =	vst v63;
	v63 =	vld [tilespmem:$0x340]  }
0xcf: {  	v59 =	vld [tilespmem:$0xBB0]  }
0xd0: {  	v42 =	vld [tilespmem:$0x5C0]  }
0xd1: {  	v3 =	vadd.f32 v4, v3;
	v4 =	vld [tilespmem:$0x1FC10]  }
0xd2: {  	v22 =	vld [tilespmem:$0x5D0]  }
0xd3: {  	[tilespmem:$0x1FEE0] =	vst v63;
	v63 =	vld [tilespmem:$0x3C0]  }
0xd4: {  	v44 =	vld [tilespmem:$0xFC0]  }
0xd5: {  	v10 =	vld [tilespmem:$0xB50]  }
0xd6: {  	v1 =	vadd.f32 v4, v1;
	v4 =	vld [tilespmem:$0x1FC20]  }
0xd7: {  	v24 =	vld [tilespmem:$0x650]  }
0xd8: {  	[tilespmem:$0x1FEF0] =	vst v63;
	v63 =	vld [tilespmem:$0x440]  }
0xd9: {  	v20 =	vld [tilespmem:$0x950]  }
0xda: {  	[tilespmem:$0x1FF30] =	vst v42;
	v42 =	vld [tilespmem:$0x370]  }
0xdb: {  	v2 =	vadd.f32 v4, v2;
	v4 =	vld [tilespmem:$0x1FC30]  }
0xdc: {  	v27 =	vld [tilespmem:$0x50]  }
0xdd: {  	[tilespmem:$0x1FF00] =	vst v63;
	v63 =	vld [tilespmem:$0x170]  }
0xde: {  	v48 =	vld [tilespmem:$0xEC0]  }
0xdf: {  	v52 =	vld [tilespmem:$0xDC0]  }
0xe0: {  	v3 =	vadd.f32 v4, v3;
	v4 =	vld [tilespmem:$0x1FC40]  }
0xe1: {  	v12 =	vld [tilespmem:$0xD50]  }
0xe2: {  	v0 =	vadd.f32 v5, v0;
	v5 =	vld [tilespmem:$0x1FD40]  }
0xe3: {  	v56 =	vld [tilespmem:$0xCC0]  }
0xe4: {  	v14 =	vld [tilespmem:$0xAD0]  }
0xe5: {  	v1 =	vadd.f32 v4, v1;
	v4 =	vld [tilespmem:$0x1FC50]  }
0xe6: {  	v0 =	vadd.f32 v6, v0;
	v6 =	vld [tilespmem:$0x1FD80]  }
0xe7: {  	v60 =	vld [tilespmem:$0xC40]  }
0xe8: {  	v16 =	vld [tilespmem:$0x850]  }
0xe9: {  	v30 =	vld [tilespmem:$0x150]  }
0xea: {  	v2 =	vadd.f32 v4, v2;
	v4 =	vld [tilespmem:$0x1FC60]  }
0xeb: {  	v8 =	vld [tilespmem:$0xCD0]  }
0xec: {  	v0 =	vadd.f32 v9, v0;
	v9 =	vld [tilespmem:$0xE50]  }
0xed: {  	v18 =	vld [tilespmem:$0x8D0]  }
0xee: {  	v33 =	vld [tilespmem:$0x250]  }
0xef: {  	v3 =	vadd.f32 v4, v3;
	v4 =	vld [tilespmem:$0x1FC70]  }
0xf0: {  	v0 =	vadd.f32 v11, v0;
	v11 =	vld [tilespmem:$0xA50]  }
0xf1: {  	v21 =	vld [tilespmem:$0x750]  }
0xf2: {  	v36 =	vld [tilespmem:$0x3D0]  }
0xf3: {  	v0 =	vadd.f32 v13, v0;
	v13 =	vld [tilespmem:$0xC50]  }
0xf4: {  	v1 =	vadd.f32 v4, v1;
	v4 =	vld [tilespmem:$0x1FC80]  }
0xf5: {  	v25 =	vld [tilespmem:$0x550]  }
0xf6: {  	v0 =	vadd.f32 v15, v0;
	v15 =	vld [tilespmem:$0xBD0]  }
0xf7: {  	v39 =	vld [tilespmem:$0x1FF20]  }
0xf8: {  	v28 =	vld [tilespmem:$0xD0];
	v0 =	vadd.f32 v17, v0  }
0xf9: {  	v2 =	vadd.f32 v4, v2;
	v4 =	vld [tilespmem:$0x1FC90]  }
0xfa: {  	v45 =	vld [tilespmem:$0xF40];
	v0 =	vadd.f32 v19, v0  }
0xfb: {  	v17 =	vld [tilespmem:$0x9D0]  }
0xfc: {  	v31 =	vld [tilespmem:$0x1D0];
	v0 =	vadd.f32 v23, v0  }
0xfd: {  	v49 =	vld [tilespmem:$0xE40]  }
0xfe: {  	v0 =	vadd.f32 v26, v0;
	v3 =	vadd.f32 v4, v3;
	v4 =	vld [tilespmem:$0x1FCA0]  }
0xff: {  	v19 =	vld [tilespmem:$0x6D0]  }
0x100: {  	v34 =	vld [tilespmem:$0x2D0];
	v0 =	vadd.f32 v29, v0  }
0x101: {  	v53 =	vld [tilespmem:$0xD40]  }
0x102: {  	v23 =	vld [tilespmem:$0x7D0];
	v0 =	vadd.f32 v32, v0  }
0x103: {  	v1 =	vadd.f32 v4, v1;
	v4 =	vld [tilespmem:$0x1FCB0]  }
0x104: {  	v37 =	vld [tilespmem:$0xE0];
	v0 =	vadd.f32 v35, v0  }
0x105: {  	v27 =	vadd.f32 v28, v27;
	v26 =	vld [tilespmem:$0x4D0]  }
0x106: {  	v57 =	vld [tilespmem:$0x1FE50];
	v0 =	vadd.f32 v38, v0  }
0x107: {  	v27 =	vadd.f32 v30, v27;
	v29 =	vld [tilespmem:$0x350]  }
0x108: {  	v0 =	vadd.f32 v43, v0;
	v2 =	vadd.f32 v4, v2;
	v4 =	vld [tilespmem:$0x1FCC0]  }
0x109: {  	v61 =	vld [tilespmem:$0x1FE70]  }
0x10a: {  	v27 =	vadd.f32 v31, v27;
	v46 =	vld [tilespmem:$0x1FDD0];
	v0 =	vadd.f32 v47, v0  }
0x10b: {  	v32 =	vld [tilespmem:$0x450]  }
0x10c: {  	v27 =	vadd.f32 v33, v27;
	v33 =	vld [tilespmem:$0x7F0];
	v0 =	vadd.f32 v51, v0  }
0x10d: {  	v3 =	vadd.f32 v4, v3;
	v4 =	vld [tilespmem:$0x1FCD0]  }
0x10e: {  	v50 =	vld [tilespmem:$0x1FDF0];
	v0 =	vadd.f32 v55, v0  }
0x10f: {  	v35 =	vld [tilespmem:$0x60]  }
0x110: {  	v27 =	vadd.f32 v34, v27;
	v54 =	vld [tilespmem:$0x70];
	v0 =	vadd.f32 v59, v0  }
0x111: {  	v58 =	vld [tilespmem:$0x160]  }
0x112: {  	v27 =	vadd.f32 v29, v27;
	v0 =	vadd.f32 v4, v0;
	v4 =	vld [tilespmem:$0x1FCE0]  }
0x113: {  	v43 =	vld [tilespmem:$0x1FDC0]  }
0x114: {  	v27 =	vadd.f32 v36, v27;
	v36 =	vld [tilespmem:$0x1FF70]  }
0x115: {  	v62 =	vld [tilespmem:$0x1FE80]  }
0x116: {  	v47 =	vld [tilespmem:$0x1FDE0]  }
0x117: {  	v1 =	vadd.f32 v4, v1;
	v4 =	vld [tilespmem:$0x1FCF0]  }
0x118: {  	v35 =	vadd.f32 v37, v35;
	v51 =	vld [tilespmem:$0x1FE00]  }
0x119: {  	v55 =	vld [tilespmem:$0xF0]  }
0x11a: {  	v35 =	vadd.f32 v58, v35;
	v58 =	vld [tilespmem:$0x270]  }
0x11b: {  	v41 =	vadd.f32 v62, v61;
	v61 =	vld [tilespmem:$0x1FEC0]  }
0x11c: {  	v2 =	vadd.f32 v4, v2;
	v4 =	vld [tilespmem:$0x1FD00]  }
0x11d: {  	v62 =	vld [tilespmem:$0x2F0]  }
0x11e: {  	v59 =	vld [tilespmem:$0x1FE60];
	v54 =	vadd.f32 v55, v54  }
0x11f: {  	v55 =	vld [tilespmem:$0x260]  }
0x120: {  	v30 =	vadd.f32 v63, v54;
	v63 =	vld [tilespmem:$0x360]  }
0x121: {  	v3 =	vadd.f32 v4, v3;
	v4 =	vld [tilespmem:$0x1FD10]  }
0x122: {  	v54 =	vld [tilespmem:$0x1FEF0]  }
0x123: {  	v5 =	vadd.f32 v5, v3;
	v3 =	vld [tilespmem:$0x1FD50]  }
0x124: {  	v31 =	vld [tilespmem:$0x1FFE0]  }
0x125: {  	v6 =	vadd.f32 v6, v5;
	v5 =	vld [tilespmem:$0x1FD90]  }
0x126: {  	v0 =	vadd.f32 v4, v0;
	v4 =	vld [tilespmem:$0x1FD20]  }
0x127: {  	v6 =	vadd.f32 v43, v6;
	v43 =	vld [tilespmem:$0x3E0]  }
0x128: {  	v0 =	vadd.f32 v3, v0;
	v3 =	vld [tilespmem:$0x1FD60]  }
0x129: {  	v38 =	vadd.f32 v51, v6;
	v6 =	vld [tilespmem:$0x1FE10]  }
0x12a: {  	v51 =	vld [tilespmem:$0x1F0]  }
0x12b: {  	v7 =	vadd.f32 v5, v0;
	v5 =	vld [tilespmem:$0xF50]  }
0x12c: {  	v0 =	vld [tilespmem:$0x1FDA0]  }
0x12d: {  	v1 =	vadd.f32 v4, v1;
	v4 =	vld [tilespmem:$0x1FD30]  }
0x12e: {  	v7 =	vadd.f32 v46, v7;
	v46 =	vld [tilespmem:$0x1FE90]  }
0x12f: {  	v1 =	vadd.f32 v3, v1;
	v3 =	vld [tilespmem:$0x1FD70]  }
0x130: {  	v7 =	vadd.f32 v6, v7;
	v6 =	vld [tilespmem:$0x1FE20]  }
0x131: {  	v30 =	vadd.f32 v51, v30;
	v51 =	vld [tilespmem:$0x460]  }
0x132: {  	v1 =	vadd.f32 v0, v1;
	v0 =	vld [tilespmem:$0x1FDB0]  }
0x133: {  	v4 =	vadd.f32 v4, v2;
	v2 =	vld [tilespmem:$0xDD0]  }
0x134: {  	v7 =	vadd.f32 v57, v7;
	v57 =	vld [tilespmem:$0x1FEB0]  }
0x135: {  	v30 =	vadd.f32 v58, v30;
	v58 =	vld [tilespmem:$0x1FF00]  }
0x136: {  	v1 =	vadd.f32 v47, v1;
	v47 =	vld [tilespmem:$0x1E0];
	v4 =	vadd.f32 v3, v4  }
0x137: {  	v3 =	vld [tilespmem:$0xED0]  }
0x138: {  	v6 =	vadd.f32 v6, v1;
	v1 =	vld [tilespmem:$0x1FE30];
	v4 =	vadd.f32 v0, v4  }
0x139: {  	v7 =	vadd.f32 v46, v7;
	v46 =	vld [tilespmem:$0x1FEE0]  }
0x13a: {  	v4 =	vadd.f32 v50, v4;
	v50 =	vld [tilespmem:$0x1FEA0]  }
0x13b: {  	v0 =	vld [tilespmem:$0xFD0]  }
0x13c: {  	v28 =	vadd.f32 v47, v35;
	v47 =	vld [tilespmem:$0x3F0]  }
0x13d: {  	v4 =	vadd.f32 v1, v4;
	v1 =	vld [tilespmem:$0x1FE40]  }
0x13e: {  	v28 =	vadd.f32 v55, v28;
	v55 =	vld [tilespmem:$0x470]  }
0x13f: {  	v4 =	vadd.f32 v59, v4;
	v59 =	vld [tilespmem:$0x2E0];
	v41 =	vadd.f32 v50, v41  }
0x140: {  	v50 =	vadd.f32 v62, v30;
	v62 =	vld [tilespmem:$0x1FF10]  }
0x141: {  	v40 =	vadd.f32 v57, v41;
	v41 =	vld [tilespmem:$0x1FED0]  }
0x142: {  	v57 =	vld [tilespmem:$0x4E0]  }
0x143: {  	v1 =	vadd.f32 v1, v38;
	v38 =	vld [tilespmem:$0x5E0]  }
0x144: {  	v29 =	vadd.f32 v42, v50;
	v42 =	vld [tilespmem:$0x660]  }
0x145: {  	v50 =	vld [tilespmem:$0x6E0];
	v40 =	vadd.f32 v61, v40  }
0x146: {  	v28 =	vadd.f32 v59, v28;
	v59 =	vld [tilespmem:$0x4F0]  }
0x147: {  	v61 =	vld [tilespmem:$0x560];
	v37 =	vadd.f32 v41, v40  }
0x148: {  	v28 =	vadd.f32 v63, v28;
	v63 =	vld [tilespmem:$0x570]  }
0x149: {  	v40 =	vld [tilespmem:$0x5F0];
	v37 =	vadd.f32 v46, v37  }
0x14a: {  	v28 =	vadd.f32 v43, v28;
	v43 =	vld [tilespmem:$0x1FF30]  }
0x14b: {  	v27 =	vadd.f32 v32, v27;
	v46 =	vld [tilespmem:$0x670];
	v35 =	vadd.f32 v54, v37  }
0x14c: {  	v29 =	vadd.f32 v47, v29;
	v28 =	vadd.f32 v51, v28;
	v51 =	vld [tilespmem:$0x1FF40]  }
0x14d: {  	v26 =	vadd.f32 v26, v27;
	v54 =	vld [tilespmem:$0x6F0];
	v35 =	vadd.f32 v58, v35  }
0x14e: {  	v37 =	vadd.f32 v55, v29;
	v28 =	vadd.f32 v57, v28;
	v57 =	vld [tilespmem:$0x760]  }
0x14f: {  	v58 =	vld [tilespmem:$0x1FF50];
	v32 =	vadd.f32 v62, v35  }
0x150: {  	v25 =	vadd.f32 v25, v26;
	v41 =	vadd.f32 v59, v37;
	v59 =	vld [tilespmem:$0x770]  }
0x151: {  	v37 =	vld [tilespmem:$0x870];
	v32 =	vadd.f32 v39, v32  }
0x152: {  	v22 =	vadd.f32 v22, v25;
	v28 =	vadd.f32 v61, v28;
	v62 =	vld [tilespmem:$0x7E0]  }
0x153: {  	v47 =	vadd.f32 v63, v41;
	v63 =	vld [tilespmem:$0x1FF60];
	v32 =	vadd.f32 v43, v32  }
0x154: {  	v22 =	vadd.f32 v24, v22;
	v35 =	vld [tilespmem:$0x860];
	v28 =	vadd.f32 v38, v28  }
0x155: {  	v38 =	vld [tilespmem:$0x8E0];
	v55 =	vadd.f32 v40, v47;
	v30 =	vadd.f32 v51, v32  }
0x156: {  	v19 =	vadd.f32 v19, v22;
	v39 =	vld [tilespmem:$0x1FF80]  }
0x157: {  	v40 =	vld [tilespmem:$0x8F0];
	v61 =	vadd.f32 v46, v55;
	v30 =	vadd.f32 v58, v30  }
0x158: {  	v19 =	vadd.f32 v21, v19;
	v27 =	vadd.f32 v42, v28;
	v42 =	vld [tilespmem:$0x960]  }
0x159: {  	v43 =	vld [tilespmem:$0x1FF90];
	v34 =	vadd.f32 v54, v61;
	v30 =	vadd.f32 v63, v30  }
0x15a: {  	v19 =	vadd.f32 v23, v19;
	v46 =	vld [tilespmem:$0x970];
	v26 =	vadd.f32 v50, v27  }
0x15b: {  	v55 =	vld [tilespmem:$0xA60];
	v21 =	vadd.f32 v59, v34;
	v29 =	vadd.f32 v36, v30  }
0x15c: {  	v16 =	vadd.f32 v16, v19;
	v51 =	vld [tilespmem:$0x1FFA0];
	v25 =	vadd.f32 v57, v26  }
0x15d: {  	v50 =	vld [tilespmem:$0x9E0];
	v41 =	vadd.f32 v33, v21;
	v28 =	vadd.f32 v39, v29  }
0x15e: {  	v16 =	vadd.f32 v18, v16;
	v57 =	vld [tilespmem:$0x1FFB0];
	v24 =	vadd.f32 v62, v25  }
0x15f: {  	v54 =	vld [tilespmem:$0x9F0];
	v47 =	vadd.f32 v37, v41;
	v27 =	vadd.f32 v43, v28  }
0x160: {  	v16 =	vadd.f32 v20, v16;
	v62 =	vld [tilespmem:$0x1FFC0];
	v22 =	vadd.f32 v35, v24  }
0x161: {  	v61 =	vld [tilespmem:$0xAE0];
	v18 =	vadd.f32 v40, v47;
	v26 =	vadd.f32 v51, v27  }
0x162: {  	v16 =	vadd.f32 v17, v16;
	v58 =	vld [tilespmem:$0xA70];
	v22 =	vadd.f32 v38, v22  }
0x163: {  	v63 =	vld [tilespmem:$0xAF0];
	v59 =	vadd.f32 v46, v18;
	v25 =	vadd.f32 v57, v26  }
0x164: {  	v11 =	vadd.f32 v11, v16;
	v21 =	vadd.f32 v42, v22;
	v27 =	vld [tilespmem:$0x1FFD0]  }
0x165: {  	v32 =	vld [tilespmem:$0xBF0];
	v24 =	vadd.f32 v62, v25;
	v25 =	vadd.f32 v54, v59  }
0x166: {  	v11 =	vadd.f32 v14, v11;
	v28 =	vld [tilespmem:$0xB70];
	v19 =	vadd.f32 v50, v21  }
0x167: {  	v26 =	vld [tilespmem:$0xB60];
	v29 =	vadd.f32 v58, v25  }
0x168: {  	v10 =	vadd.f32 v10, v11;
	v35 =	vld [tilespmem:$0x1FFF0];
	v19 =	vadd.f32 v55, v19  }
0x169: {  	v30 =	vld [tilespmem:$0xBE0];
	v23 =	vadd.f32 v27, v24;
	v33 =	vadd.f32 v63, v29  }
0x16a: {  	v10 =	vadd.f32 v15, v10;
	v36 =	vld [tilespmem:$0xC70];
	v18 =	vadd.f32 v61, v19  }
0x16b: {  	v34 =	vld [tilespmem:$0xC60];
	v22 =	vadd.f32 v31, v23;
	v11 =	vadd.f32 v28, v33  }
0x16c: {  	v10 =	vadd.f32 v13, v10;
	v39 =	vld [tilespmem:$0xCF0];
	v17 =	vadd.f32 v26, v18  }
0x16d: {  	v37 =	vld [tilespmem:$0xCE0];
	v21 =	vadd.f32 v35, v22;
	v11 =	vadd.f32 v32, v11  }
0x16e: {  	v8 =	vadd.f32 v8, v10;
	v42 =	vld [tilespmem:$0xD70];
	v16 =	vadd.f32 v30, v17  }
0x16f: {  	v40 =	vld [tilespmem:$0xD60];
	v38 =	vadd.f32 v60, v21;
	v43 =	vadd.f32 v36, v11  }
0x170: {  	v8 =	vadd.f32 v12, v8;
	v50 =	vld [tilespmem:$0xDF0];
	v14 =	vadd.f32 v34, v16  }
0x171: {  	v46 =	vld [tilespmem:$0xDE0];
	v41 =	vadd.f32 v56, v38;
	v10 =	vadd.f32 v39, v43  }
0x172: {  	v2 =	vadd.f32 v2, v8;
	v54 =	vld [tilespmem:$0xE70];
	v14 =	vadd.f32 v37, v14  }
0x173: {  	v51 =	vld [tilespmem:$0xE60];
	v47 =	vadd.f32 v53, v41;
	v8 =	vadd.f32 v42, v10  }
0x174: {  	v2 =	vadd.f32 v9, v2;
	v57 =	vld [tilespmem:$0xEF0];
	v13 =	vadd.f32 v40, v14  }
0x175: {  	v55 =	vld [tilespmem:$0xEE0];
	v53 =	vadd.f32 v52, v47;
	v8 =	vadd.f32 v50, v8  }
0x176: {  	v2 =	vadd.f32 v3, v2;
	v60 =	vld [tilespmem:$0xF70];
	v11 =	vadd.f32 v46, v13  }
0x177: {  	v58 =	vld [tilespmem:$0xF60];
	v56 =	vadd.f32 v49, v53;
	v3 =	vadd.f32 v54, v8  }
0x178: {  	v62 =	vld [tilespmem:$0xFF0];
	v11 =	vadd.f32 v51, v11  }
0x179: {  	v59 =	vadd.f32 v48, v56;
	v8 =	vld [tilespmem:$0xFE0];
	v3 =	vadd.f32 v57, v3  }
0x17a: {  	v2 =	vadd.f32 v5, v2;
	v10 =	vadd.f32 v55, v11  }
0x17b: {  	v61 =	vadd.f32 v45, v59;
	v12 =	vadd.f32 v60, v3  }
0x17c: {  	v1 =	vmul.f32 $3.125000000e-02, v1;
	v63 =	vadd.f32 v0, v2;
	v9 =	vadd.f32 v58, v10  }
0x17d: {  	v5 =	vadd.f32 v44, v61;
	v3 =	vmul.f32 $3.125000000e-02, v7;
	v7 =	vadd.f32 v62, v12  }
0x17e: {  	v0 =	vmul.f32 $3.125000000e-02, v6;
	v2 =	vmul.f32 $3.125000000e-02, v4;
	v8 =	vadd.f32 v8, v9  }
0x17f: {  	v4 =	vmul.f32 $3.125000000e-02, v5;
	v7 =	vmul.f32 $3.125000000e-02, v7  }
0x180: {  	s17 =	simm.s32 $0x0;
	s18 =	simm.s32 $0x200;
	v5 =	vmul.f32 $3.125000000e-02, v63;
	v6 =	vmul.f32 $3.125000000e-02, v8  }
.LBB2_2:
0x181: {  	p0 =	sne.s32 s18, $0x7E00;
	[tilespmem:s17+$0x1070] =	vst v7  }
0x182: {  	[tilespmem:s17+$0x1000] =	vst v0  }
0x183: {  	[tilespmem:s17+$0x1010] =	vst v1  }
.Ltmp0:
0x184: {  	[tilespmem:s17+$0x1020] =	vst v2;
	(pc) =	sbr.rel @p0 .LBB2_2-.Ltmp0, $4  }
0x185: {  	[tilespmem:s17+$0x1030] =	vst v3  }
0x186: {  	[tilespmem:s17+$0x1040] =	vst v4  }
0x187: {  	[tilespmem:s17+$0x1050] =	vst v5  }
0x188: {  	[tilespmem:s17+$0x1060] =	vst v6;
	s17 =	sshra.s32 s18, $0x2;
	s18 =	sadd.s32 $0x200, s18  }
0x189: {  	[tilespmem:s17+$0x1070] =	vst v7  }
0x18a: {  	[tilespmem:s17+$0x1000] =	vst v0  }
0x18b: {  	[tilespmem:s17+$0x1010] =	vst v1  }
0x18c: {  	[tilespmem:s17+$0x1020] =	vst v2  }
0x18d: {  	[tilespmem:s17+$0x1030] =	vst v3  }
0x18e: {  	[tilespmem:s17+$0x1040] =	vst v4  }
0x18f: {  	[tilespmem:s17+$0x1050] =	vst v5  }
0x190: {  	[tilespmem:s17+$0x1060] =	vst v6  }
0x191: {  	[hbm4b:s4+s2] =	stream.linear.scatter [tilespmem:s14], [sflag:$0x1], $0x2000, $0x38;
	[tilespmem:$0x3000] =	vst v63  }
0x192: {  	_ = 	snop  }
0x193: {  	[hbm4b:s5+s2] =	stream.linear.scatter [tilespmem:s14], [sflag:$0x1], $0x2000, $0x38;
	[tilespmem:$0x3000] =	vst v63  }
0x194: {  	_ = 	snop  }
0x195: {  	[hbm4b:s6+s2] =	stream.linear.scatter [tilespmem:s14], [sflag:$0x1], $0x2000, $0x38;
	[tilespmem:$0x3000] =	vst v63  }
0x196: {  	_ = 	snop  }
0x197: {  	[hbm4b:s7+s2] =	stream.linear.scatter [tilespmem:s14], [sflag:$0x1], $0x2000, $0x38;
	[tilespmem:$0x3000] =	vst v63  }
0x198: {  	_ = 	snop  }
0x199: {  	[hbm4b:s8+s2] =	stream.linear.scatter [tilespmem:s14], [sflag:$0x1], $0x2000, $0x38;
	[tilespmem:$0x3000] =	vst v63  }
0x19a: {  	_ = 	snop  }
0x19b: {  	[hbm4b:s9+s2] =	stream.linear.scatter [tilespmem:s14], [sflag:$0x1], $0x2000, $0x38;
	[tilespmem:$0x3000] =	vst v63  }
0x19c: {  	_ = 	snop  }
0x19d: {  	[hbm4b:s10+s2] =	stream.linear.scatter [tilespmem:s14], [sflag:$0x1], $0x2000, $0x38;
	[tilespmem:$0x3000] =	vst v63  }
0x19e: {  	_ = 	snop  }
0x19f: {  	[hbm4b:s11+s2] =	stream.linear.scatter [tilespmem:s14], [sflag:$0x1], $0x2000, $0x38;
	[tilespmem:$0x3000] =	vst v63  }
0x1a0: {  	_ =	swait.ge [sflag:s15], $0x2000  }
0x1a1: {  	[sflag:s15] =	ssyncset.done $0x0  }
0x1a2: {  	[sflag:s15] =	ssyncadd.s32 $0xFFFFE000  }
0x1a3: {  	_ =	swait.ge [sflag:s15], $0x2000  }
0x1a4: {  	[sflag:s15] =	ssyncset.done $0x0  }
0x1a5: {  	[sflag:s15] =	ssyncadd.s32 $0xFFFFE000  }
0x1a6: {  	_ =	swait.ge [sflag:s15], $0x2000  }
0x1a7: {  	[sflag:s15] =	ssyncset.done $0x0  }
0x1a8: {  	[sflag:s15] =	ssyncadd.s32 $0xFFFFE000  }
0x1a9: {  	_ =	swait.ge [sflag:s15], $0x2000  }
0x1aa: {  	[sflag:s15] =	ssyncset.done $0x0  }
0x1ab: {  	[sflag:s15] =	ssyncadd.s32 $0xFFFFE000  }
0x1ac: {  	_ =	swait.ge [sflag:s15], $0x2000  }
0x1ad: {  	[sflag:s15] =	ssyncset.done $0x0  }
0x1ae: {  	[sflag:s15] =	ssyncadd.s32 $0xFFFFE000  }
0x1af: {  	_ =	swait.ge [sflag:s15], $0x2000  }
0x1b0: {  	[sflag:s15] =	ssyncset.done $0x0  }
0x1b1: {  	s16 =	sadd.s32 $0x1, s16;
	[sflag:s15] =	ssyncadd.s32 $0xFFFFE000  }
0x1b2: {  	p0 =	sne.s32 s16, s12;
	_ =	swait.ge [sflag:s15], $0x2000  }
.Ltmp1:
0x1b3: {  	[sflag:s15] =	ssyncset.done $0x0;
	(pc) =	sbr.rel @p0 .LBB2_1-.Ltmp1, $4  }
0x1b4: {  	[sflag:s15] =	ssyncadd.s32 $0xFFFFE000  }
0x1b5: {  	_ =	swait.ge [sflag:s15], $0x2000  }
0x1b6: {  	[sflag:s15] =	ssyncset.done $0x0  }
0x1b7: {  	[sflag:s15] =	ssyncadd.s32 $0xFFFFE000  }
0x1b8: {  	_ =	sfence.sel $0x180000  }
0x1b9: {  	[bflag:$0x0] =	sbarrier.arrive $0xFFFF  }
0x1ba: {  	p0 =	sne.s32 s1, $0x0;
	_ =	strace $0x90000047  }
0x1bb: {  	s0 =	sadd.s32 @!p0 $0x100000, s0;
	[bflag:$0x2] =	sbarrier.arrive $0xFFFF  }
0x1bc: {  	[sflag:s0] =	ssyncadd.tile.s32 @!p0 $0x1;
	_ =	shalt  }
.Lfunc_end2:
_tile_overlayer_lowered:
.L_overlay_start_2:
0x1bd: {  	(tag) =	ssettag $0x2  }
0x1be: {  	s0 =	rddreg [dreg:$0x0];
	s2 =	stileid.u32  }
0x1bf: {  	s1 =	rddreg [dreg:$0x1];
	p0 =	sne.s32 s2, $0x0  }
0x1c0: {  	s3 =	rddreg [dreg:$0x2];
	[bflag:$0x3] =	sbarrier.arrive $0xFFFF;
	s2 =	simm.s32 @!p0 $0x1C02  }
0x1c1: {  	[timem:s3], [sflag:s2] =	dma.local @!p0 [hbm:s0], s1  }
0x1c2: {  	s0 =	simm.s32 @!p0 $0x2  }
0x1c3: {  	_ =	swait.ge @!p0 [sflag:s0], s1  }
0x1c4: {  	s1 =	ssub.s32 @!p0 $0x0, s1;
	[sflag:s0] =	ssyncset.done @!p0 $0x0  }
0x1c5: {  	[sflag:s0] =	ssyncadd.s32 @!p0 s1  }
0x1c6: {  	[bflag:$0x3] =	sbarrier.arrive $0xFFFF  }
0x1c7: {  	_ =	shalt  }

</sc_bundles>
